<compile_context>
chip_gen: v7x
topology: tpu7x:2x2x1
jax: 0.10.2.dev20260603
libtpu: 0.0.44.dev20260713+nightly
codegen_flags: <defaults>
</compile_context>

<pallas_src>
import functools

import jax
import jax.numpy as jnp
from jax import lax
from jax.experimental import pallas as pl
from jax.experimental.pallas import tpu as pltpu, tpu_sc as plsc

BATCH = 16384
FACTORS = 32

_info = plsc.get_sparse_core_info()
_NC, _NS, _L = _info.num_cores, _info.num_subcores, _info.num_lanes
_NW = _NC * _NS
_BPW = BATCH // _NW
_GROUPS = _BPW // _L
_NSLOT = 8

_mesh = plsc.VectorSubcoreMesh(core_axis_name="c", subcore_axis_name="s")


@functools.partial(
    pl.kernel,
    mesh=_mesh,
    out_type=jax.ShapeDtypeStruct((BATCH,), jnp.float32),
    compiler_params=pltpu.CompilerParams(needs_layout_passes=False),
    scratch_types=(
        [
            pltpu.VMEM((_BPW,), jnp.int32),
            pltpu.VMEM((_BPW,), jnp.int32),
            pltpu.VMEM((_BPW,), jnp.float32),
            pltpu.VMEM((_BPW,), jnp.float32),
            pltpu.VMEM((_L,), jnp.float32),
            pltpu.VMEM((_BPW,), jnp.float32),
            pltpu.VMEM((_L * _L,), jnp.float32),
        ]
        + [pltpu.VMEM((FACTORS, 128), jnp.float32) for _ in range(2 * _NSLOT)]
        + [pltpu.SemaphoreType.DMA for _ in range(2 * _NSLOT)]
        + [pltpu.SemaphoreType.DMA]
    ),
)
def _mf_kernel(user_hbm, item_hbm, ut_hbm, it_hbm, bu_hbm, bi_hbm, gb_hbm,
               out_hbm,
               uidx_v, iidx_v, bu_v, bi_v, gb_v, out_v, psum_v,
               *bufs_and_sems):
    ubufs = bufs_and_sems[:_NSLOT]
    ibufs = bufs_and_sems[_NSLOT:2 * _NSLOT]
    usems = bufs_and_sems[2 * _NSLOT:3 * _NSLOT]
    isems = bufs_and_sems[3 * _NSLOT:4 * _NSLOT]
    bsem = bufs_and_sems[4 * _NSLOT]

    wid = lax.axis_index("s") * _NC + lax.axis_index("c")
    base = wid * _BPW

    pltpu.sync_copy(user_hbm.at[pl.ds(base, _BPW)], uidx_v)
    pltpu.sync_copy(item_hbm.at[pl.ds(base, _BPW)], iidx_v)
    pltpu.sync_copy(gb_hbm, gb_v)

    bcp_u = pltpu.async_copy(bu_hbm.at[uidx_v], bu_v, bsem)
    bcp_i = pltpu.async_copy(bi_hbm.at[iidx_v], bi_v, bsem)

    lanes = lax.iota(jnp.int32, _L)
    lanes_hi = lanes + _L
    lanes16 = lanes * _L

    def group_body(g, carry):
        row0 = g * _L
        uvec = uidx_v[pl.ds(row0, _L)]
        ivec = iidx_v[pl.ds(row0, _L)]
        ustarts = (uvec >> 7) * 128
        istarts = (ivec >> 7) * 128
        ucols = uvec & 127
        icols = ivec & 127

        ucps = [None] * _L
        icps = [None] * _L

        def issue(jj):
            s = jj % _NSLOT
            ustart = pl.multiple_of(ustarts[jj], 128)
            istart = pl.multiple_of(istarts[jj], 128)
            ucps[jj] = pltpu.async_copy(
                ut_hbm.at[:, pl.ds(ustart, 128)], ubufs[s], usems[s])
            icps[jj] = pltpu.async_copy(
                it_hbm.at[:, pl.ds(istart, 128)], ibufs[s], isems[s])

        def extract(jj):
            s = jj % _NSLOT
            ucps[jj].wait()
            icps[jj].wait()
            ucol = jnp.broadcast_to(ucols[jj], (_L,))
            icol = jnp.broadcast_to(icols[jj], (_L,))
            u0 = plsc.load_gather(ubufs[s], [lanes, ucol])
            u1 = plsc.load_gather(ubufs[s], [lanes_hi, ucol])
            v0 = plsc.load_gather(ibufs[s], [lanes, icol])
            v1 = plsc.load_gather(ibufs[s], [lanes_hi, icol])
            p = u0 * v0 + u1 * v1
            plsc.store_scatter(psum_v, [lanes16 + jj], p)

        for jj in range(_L + _NSLOT):
            if jj >= _NSLOT:
                extract(jj - _NSLOT)
            if jj < _L:
                issue(jj)

        acc = psum_v[pl.ds(0, _L)]
        for r in range(1, _L):
            acc = acc + psum_v[pl.ds(r * _L, _L)]
        out_v[pl.ds(row0, _L)] = acc
        return carry

    lax.fori_loop(0, _GROUPS, group_body, 0)

    bcp_u.wait()
    bcp_i.wait()
    gb = gb_v[...]

    def bias_body(g, carry):
        o = g * _L
        out_v[pl.ds(o, _L)] = (out_v[pl.ds(o, _L)] + bu_v[pl.ds(o, _L)]
                               + bi_v[pl.ds(o, _L)] + gb)
        return carry

    lax.fori_loop(0, _GROUPS, bias_body, 0)

    pltpu.sync_copy(out_v, out_hbm.at[pl.ds(base, _BPW)])


def kernel(user, item, U_MF, I_MF, B_U, B_I, GB):
    ut = U_MF.T
    it = I_MF.T
    bu = B_U.reshape(-1)
    bi = B_I.reshape(-1)
    gb_vec = jnp.broadcast_to(GB.astype(jnp.float32).reshape(1), (_L,))
    return _mf_kernel(user.astype(jnp.int32), item.astype(jnp.int32),
                      ut, it, bu, bi, gb_vec)

# --- scband reference (transcript-rebuilt; emitter-appended) ---
"""Pipeline reference for scband-matrix-factorization-layer-65712999629188 (READ-ONLY COPY).

The authoritative reference and input builder live on the scoring server;
editing this copy changes nothing except your own understanding.
"""

import jax, jax.numpy as jnp
import numpy as np

NUM_USERS = 1000000
NUM_ITEMS = 1000000
FACTORS = 32
BATCH = 16384

def setup_inputs(seed: int = 0) -> dict:
    key = jax.random.key(seed)
    k1, k2, k3, k4 = jax.random.split(key, 4)
    user = jax.random.randint(k1, (BATCH,), 0, NUM_USERS, dtype=jnp.int64 if jax.config.jax_enable_x64 else jnp.int32)
    item = jax.random.randint(k2, (BATCH,), 0, NUM_ITEMS, dtype=jnp.int64 if jax.config.jax_enable_x64 else jnp.int32)
    # learned parameters (truncated_normal init approximated by normal * 0.05; biases zero-init)
    U_MF = jax.random.truncated_normal(k3, -2.0, 2.0, (NUM_USERS, FACTORS), dtype=jnp.float32) * 0.05
    I_MF = jax.random.truncated_normal(k4, -2.0, 2.0, (NUM_ITEMS, FACTORS), dtype=jnp.float32) * 0.05
    B_U = jnp.zeros((NUM_USERS, 1), dtype=jnp.float32)
    B_I = jnp.zeros((NUM_ITEMS, 1), dtype=jnp.float32)
    GB = jnp.array(0.0, dtype=jnp.float32)
    return {"user": user, "item": item, "U_MF": U_MF, "I_MF": I_MF, "B_U": B_U, "B_I": B_I, "GB": GB}

def reference(user, item, U_MF, I_MF, B_U, B_I, GB):
    user_mf_e = jnp.take(U_MF, user, axis=0)          # [B, F] gather
    item_mf_e = jnp.take(I_MF, item, axis=0)          # [B, F] gather
    mf_output = jnp.sum(user_mf_e * item_mf_e, axis=-1)  # [B]
    u_b = jnp.squeeze(jnp.take(B_U, user, axis=0), axis=-1)  # [B]
    i_b = jnp.squeeze(jnp.take(B_I, item, axis=0), axis=-1)  # [B]
    return mf_output + GB + u_b + i_b

if __name__ == "__main__":
    import jax
    _d = setup_inputs()
    print(jax.jit(kernel)(*tuple(_d.values())))

</pallas_src>

<mosaic_0001>
#map = affine_map<(d0, d1) -> (0)>
#map1 = affine_map<(d0, d1) -> (0, 0)>
module attributes {stable_mosaic.version = 14 : i64} {
  func.func @_mf_kernel(%arg0: i32, %arg1: i32, %arg2: memref<16384xi32, #tpu.memory_space<hbm>>, %arg3: memref<16384xi32, #tpu.memory_space<hbm>>, %arg4: memref<32x1000000xf32, #tpu.memory_space<hbm>>, %arg5: memref<32x1000000xf32, #tpu.memory_space<hbm>>, %arg6: memref<1000000xf32, #tpu.memory_space<hbm>>, %arg7: memref<1000000xf32, #tpu.memory_space<hbm>>, %arg8: memref<16xf32, #tpu.memory_space<hbm>>, %arg9: memref<16384xf32, #tpu.memory_space<hbm>>, %arg10: memref<512xi32, #tpu.memory_space<vmem>>, %arg11: memref<512xi32, #tpu.memory_space<vmem>>, %arg12: memref<512xf32, #tpu.memory_space<vmem>>, %arg13: memref<512xf32, #tpu.memory_space<vmem>>, %arg14: memref<16xf32, #tpu.memory_space<vmem>>, %arg15: memref<512xf32, #tpu.memory_space<vmem>>, %arg16: memref<256xf32, #tpu.memory_space<vmem>>, %arg17: memref<32x128xf32, #tpu.memory_space<vmem>>, %arg18: memref<32x128xf32, #tpu.memory_space<vmem>>, %arg19: memref<32x128xf32, #tpu.memory_space<vmem>>, %arg20: memref<32x128xf32, #tpu.memory_space<vmem>>, %arg21: memref<32x128xf32, #tpu.memory_space<vmem>>, %arg22: memref<32x128xf32, #tpu.memory_space<vmem>>, %arg23: memref<32x128xf32, #tpu.memory_space<vmem>>, %arg24: memref<32x128xf32, #tpu.memory_space<vmem>>, %arg25: memref<32x128xf32, #tpu.memory_space<vmem>>, %arg26: memref<32x128xf32, #tpu.memory_space<vmem>>, %arg27: memref<32x128xf32, #tpu.memory_space<vmem>>, %arg28: memref<32x128xf32, #tpu.memory_space<vmem>>, %arg29: memref<32x128xf32, #tpu.memory_space<vmem>>, %arg30: memref<32x128xf32, #tpu.memory_space<vmem>>, %arg31: memref<32x128xf32, #tpu.memory_space<vmem>>, %arg32: memref<32x128xf32, #tpu.memory_space<vmem>>, %arg33: memref<!tpu.dma_semaphore, #tpu.memory_space<semaphore_mem>>, %arg34: memref<!tpu.dma_semaphore, #tpu.memory_space<semaphore_mem>>, %arg35: memref<!tpu.dma_semaphore, #tpu.memory_space<semaphore_mem>>, %arg36: memref<!tpu.dma_semaphore, #tpu.memory_space<semaphore_mem>>, %arg37: memref<!tpu.dma_semaphore, #tpu.memory_space<semaphore_mem>>, %arg38: memref<!tpu.dma_semaphore, #tpu.memory_space<semaphore_mem>>, %arg39: memref<!tpu.dma_semaphore, #tpu.memory_space<semaphore_mem>>, %arg40: memref<!tpu.dma_semaphore, #tpu.memory_space<semaphore_mem>>, %arg41: memref<!tpu.dma_semaphore, #tpu.memory_space<semaphore_mem>>, %arg42: memref<!tpu.dma_semaphore, #tpu.memory_space<semaphore_mem>>, %arg43: memref<!tpu.dma_semaphore, #tpu.memory_space<semaphore_mem>>, %arg44: memref<!tpu.dma_semaphore, #tpu.memory_space<semaphore_mem>>, %arg45: memref<!tpu.dma_semaphore, #tpu.memory_space<semaphore_mem>>, %arg46: memref<!tpu.dma_semaphore, #tpu.memory_space<semaphore_mem>>, %arg47: memref<!tpu.dma_semaphore, #tpu.memory_space<semaphore_mem>>, %arg48: memref<!tpu.dma_semaphore, #tpu.memory_space<semaphore_mem>>, %arg49: memref<!tpu.dma_semaphore, #tpu.memory_space<semaphore_mem>>) attributes {dimension_semantics = [#tpu.dimension_semantics<core_parallel>, #tpu.dimension_semantics<subcore_parallel>], iteration_bounds = array<i64: 2, 16>, scalar_prefetch = 0 : i64, scratch_operands = 40 : i64, tpu.core_type = #tpu.core_type<sc_vector_subcore>, window_params = [{transform_indices = #map}, {transform_indices = #map}, {transform_indices = #map1}, {transform_indices = #map1}, {transform_indices = #map}, {transform_indices = #map}, {transform_indices = #map}, {transform_indices = #map}]} {
    %mul3A = arith.constant 2 : i32
    %mul3A_0 = arith.muli %arg1, %mul3A : i32
    %add3A = arith.addi %mul3A_0, %arg0 : i32
    %mul3A_1 = arith.constant 512 : i32
    %mul3A_2 = arith.muli %add3A, %mul3A_1 : i32
    "tpu.region"() ({
      %run_scoped3A = tpu.sem_alloc : memref<!tpu.dma_semaphore, #tpu.memory_space<semaphore_mem>>
      %dma_start3A_27 = tpu.memref_slice %arg2[%mul3A_2] : memref<16384xi32, #tpu.memory_space<hbm>> -> memref<512xi32, #tpu.memory_space<hbm>>
      %dma_start3A_28 = tpu.memref_slice %arg2[%mul3A_2] : memref<16384xi32, #tpu.memory_space<hbm>> -> memref<512xi32, #tpu.memory_space<hbm>>
      tpu.enqueue_dma source(%dma_start3A_28 : memref<512xi32, #tpu.memory_space<hbm>>) target(%arg10 : memref<512xi32, #tpu.memory_space<vmem>>) target_semaphore(%run_scoped3A : memref<!tpu.dma_semaphore, #tpu.memory_space<semaphore_mem>>)
      %dma_wait3A_29 = tpu.memref_slice %arg2[%mul3A_2] : memref<16384xi32, #tpu.memory_space<hbm>> -> memref<512xi32, #tpu.memory_space<hbm>>
      %dma_wait3A_30 = tpu.memref_slice %arg2[%mul3A_2] : memref<16384xi32, #tpu.memory_space<hbm>> -> memref<512xi32, #tpu.memory_space<hbm>>
      tpu.wait_dma2 semaphore(%run_scoped3A : memref<!tpu.dma_semaphore, #tpu.memory_space<semaphore_mem>>) src(%dma_wait3A_30 : memref<512xi32, #tpu.memory_space<hbm>>) dst(%arg10 : memref<512xi32, #tpu.memory_space<vmem>>)
      tpu.yield
    }) : () -> ()
    "tpu.region"() ({
      %run_scoped3A = tpu.sem_alloc : memref<!tpu.dma_semaphore, #tpu.memory_space<semaphore_mem>>
      %dma_start3A_27 = tpu.memref_slice %arg3[%mul3A_2] : memref<16384xi32, #tpu.memory_space<hbm>> -> memref<512xi32, #tpu.memory_space<hbm>>
      %dma_start3A_28 = tpu.memref_slice %arg3[%mul3A_2] : memref<16384xi32, #tpu.memory_space<hbm>> -> memref<512xi32, #tpu.memory_space<hbm>>
      tpu.enqueue_dma source(%dma_start3A_28 : memref<512xi32, #tpu.memory_space<hbm>>) target(%arg11 : memref<512xi32, #tpu.memory_space<vmem>>) target_semaphore(%run_scoped3A : memref<!tpu.dma_semaphore, #tpu.memory_space<semaphore_mem>>)
      %dma_wait3A_29 = tpu.memref_slice %arg3[%mul3A_2] : memref<16384xi32, #tpu.memory_space<hbm>> -> memref<512xi32, #tpu.memory_space<hbm>>
      %dma_wait3A_30 = tpu.memref_slice %arg3[%mul3A_2] : memref<16384xi32, #tpu.memory_space<hbm>> -> memref<512xi32, #tpu.memory_space<hbm>>
      tpu.wait_dma2 semaphore(%run_scoped3A : memref<!tpu.dma_semaphore, #tpu.memory_space<semaphore_mem>>) src(%dma_wait3A_30 : memref<512xi32, #tpu.memory_space<hbm>>) dst(%arg11 : memref<512xi32, #tpu.memory_space<vmem>>)
      tpu.yield
    }) : () -> ()
    "tpu.region"() ({
      %run_scoped3A = tpu.sem_alloc : memref<!tpu.dma_semaphore, #tpu.memory_space<semaphore_mem>>
      tpu.enqueue_dma source(%arg8 : memref<16xf32, #tpu.memory_space<hbm>>) target(%arg14 : memref<16xf32, #tpu.memory_space<vmem>>) target_semaphore(%run_scoped3A : memref<!tpu.dma_semaphore, #tpu.memory_space<semaphore_mem>>)
      tpu.wait_dma2 semaphore(%run_scoped3A : memref<!tpu.dma_semaphore, #tpu.memory_space<semaphore_mem>>) src(%arg8 : memref<16xf32, #tpu.memory_space<hbm>>) dst(%arg14 : memref<16xf32, #tpu.memory_space<vmem>>)
      tpu.yield
    }) : () -> ()
    %dma_start3A = arith.constant 0 : i32
    %dma_start3A_3 = tpu.memref_slice %arg6[%dma_start3A] : memref<1000000xf32, #tpu.memory_space<hbm>> -> memref<1000000xf32, #tpu.memory_space<hbm>>
    tpu.enqueue_indirect_dma source(%dma_start3A_3 : memref<1000000xf32, #tpu.memory_space<hbm>>) target(%arg12 : memref<512xf32, #tpu.memory_space<vmem>>) offsets(%arg10 : memref<512xi32, #tpu.memory_space<vmem>>) semaphore(%arg49 : memref<!tpu.dma_semaphore, #tpu.memory_space<semaphore_mem>>)
    %dma_start3A_4 = arith.constant 0 : i32
    %dma_start3A_5 = tpu.memref_slice %arg7[%dma_start3A_4] : memref<1000000xf32, #tpu.memory_space<hbm>> -> memref<1000000xf32, #tpu.memory_space<hbm>>
    tpu.enqueue_indirect_dma source(%dma_start3A_5 : memref<1000000xf32, #tpu.memory_space<hbm>>) target(%arg13 : memref<512xf32, #tpu.memory_space<vmem>>) offsets(%arg11 : memref<512xi32, #tpu.memory_space<vmem>>) semaphore(%arg49 : memref<!tpu.dma_semaphore, #tpu.memory_space<semaphore_mem>>)
    %iota3A = tpu.iota {dimensions = array<i32: 0>} : vector<16xi32>
    %add3A_6 = arith.constant 16 : i32
    %add3A_7 = vector.broadcast %add3A_6 : i32 to vector<16xi32>
    %add3A_8 = arith.addi %iota3A, %add3A_7 : vector<16xi32>
    %mul3A_9 = arith.constant 16 : i32
    %mul3A_10 = vector.broadcast %mul3A_9 : i32 to vector<16xi32>
    %mul3A_11 = arith.muli %iota3A, %mul3A_10 : vector<16xi32>
    %scan3A = arith.constant 0 : i32
    %scan3A_12 = arith.constant 0 : i32
    %scan3A_13 = arith.constant 32 : i32
    %scan3A_14 = arith.addi %scan3A_12, %scan3A_13 : i32
    %scan3A_15 = arith.constant 1 : i32
    scf.for %scan3A_27 = %scan3A_12 to %scan3A_14 step %scan3A_15  : i32 {
      %mul3A_28 = arith.constant 16 : i32
      %mul3A_29 = arith.muli %scan3A_27, %mul3A_28 : i32
      %get3A_30 = arith.index_cast %mul3A_29 : i32 to index
      %get3A_31 = tpu.vector_load %arg10[%get3A_30] {strides = array<i32>} : memref<512xi32, #tpu.memory_space<vmem>>, vector<16xi32>,
      %get3A_32 = arith.index_cast %mul3A_29 : i32 to index
      %get3A_33 = tpu.vector_load %arg11[%get3A_32] {strides = array<i32>} : memref<512xi32, #tpu.memory_space<vmem>>, vector<16xi32>,
      %shift_right_arithmetic3A = arith.constant 7 : i32
      %shift_right_arithmetic3A_34 = vector.broadcast %shift_right_arithmetic3A : i32 to vector<16xi32>
      %shift_right_arithmetic3A_35 = arith.shrsi %get3A_31, %shift_right_arithmetic3A_34 : vector<16xi32>
      %mul3A_36 = arith.constant 128 : i32
      %mul3A_37 = vector.broadcast %mul3A_36 : i32 to vector<16xi32>
      %mul3A_38 = arith.muli %shift_right_arithmetic3A_35, %mul3A_37 : vector<16xi32>
      %shift_right_arithmetic3A_39 = arith.constant 7 : i32
      %shift_right_arithmetic3A_40 = vector.broadcast %shift_right_arithmetic3A_39 : i32 to vector<16xi32>
      %shift_right_arithmetic3A_41 = arith.shrsi %get3A_33, %shift_right_arithmetic3A_40 : vector<16xi32>
      %mul3A_42 = arith.constant 128 : i32
      %mul3A_43 = vector.broadcast %mul3A_42 : i32 to vector<16xi32>
      %mul3A_44 = arith.muli %shift_right_arithmetic3A_41, %mul3A_43 : vector<16xi32>
      %and3A = arith.constant 127 : i32
      %and3A_45 = vector.broadcast %and3A : i32 to vector<16xi32>
      %and3A_46 = arith.andi %get3A_31, %and3A_45 : vector<16xi32>
      %and3A_47 = arith.constant 127 : i32
      %and3A_48 = vector.broadcast %and3A_47 : i32 to vector<16xi32>
      %and3A_49 = arith.andi %get3A_33, %and3A_48 : vector<16xi32>
      %slice3A = vector.extract_strided_slice %mul3A_38 {offsets = [0], sizes = [1], strides = [1]} : vector<16xi32> to vector<1xi32>
      %squeeze3A = vector.extract %slice3A[0] : i32 from vector<1xi32>
      %multiple_of3A = tpu.assume_multiple %squeeze3A, 128 : i32
      %slice3A_50 = vector.extract_strided_slice %mul3A_44 {offsets = [0], sizes = [1], strides = [1]} : vector<16xi32> to vector<1xi32>
      %squeeze3A_51 = vector.extract %slice3A_50[0] : i32 from vector<1xi32>
      %multiple_of3A_52 = tpu.assume_multiple %squeeze3A_51, 128 : i32
      %dma_start3A_53 = arith.constant 0 : i32
      %dma_start3A_54 = tpu.memref_slice %arg4[%dma_start3A_53, %multiple_of3A] : memref<32x1000000xf32, #tpu.memory_space<hbm>> -> memref<32x128xf32, #tpu.memory_space<hbm>>
      %dma_start3A_55 = arith.constant 0 : i32
      %dma_start3A_56 = tpu.memref_slice %arg4[%dma_start3A_55, %multiple_of3A] : memref<32x1000000xf32, #tpu.memory_space<hbm>> -> memref<32x128xf32, #tpu.memory_space<hbm>>
      tpu.enqueue_dma source(%dma_start3A_56 : memref<32x128xf32, #tpu.memory_space<hbm>>) target(%arg17 : memref<32x128xf32, #tpu.memory_space<vmem>>) target_semaphore(%arg33 : memref<!tpu.dma_semaphore, #tpu.memory_space<semaphore_mem>>)
      %dma_start3A_57 = arith.constant 0 : i32
      %dma_start3A_58 = tpu.memref_slice %arg5[%dma_start3A_57, %multiple_of3A_52] : memref<32x1000000xf32, #tpu.memory_space<hbm>> -> memref<32x128xf32, #tpu.memory_space<hbm>>
      %dma_start3A_59 = arith.constant 0 : i32
      %dma_start3A_60 = tpu.memref_slice %arg5[%dma_start3A_59, %multiple_of3A_52] : memref<32x1000000xf32, #tpu.memory_space<hbm>> -> memref<32x128xf32, #tpu.memory_space<hbm>>
      tpu.enqueue_dma source(%dma_start3A_60 : memref<32x128xf32, #tpu.memory_space<hbm>>) target(%arg25 : memref<32x128xf32, #tpu.memory_space<vmem>>) target_semaphore(%arg41 : memref<!tpu.dma_semaphore, #tpu.memory_space<semaphore_mem>>)
      %slice3A_61 = vector.extract_strided_slice %mul3A_38 {offsets = [1], sizes = [1], strides = [1]} : vector<16xi32> to vector<1xi32>
      %squeeze3A_62 = vector.extract %slice3A_61[0] : i32 from vector<1xi32>
      %multiple_of3A_63 = tpu.assume_multiple %squeeze3A_62, 128 : i32
      %slice3A_64 = vector.extract_strided_slice %mul3A_44 {offsets = [1], sizes = [1], strides = [1]} : vector<16xi32> to vector<1xi32>
      %squeeze3A_65 = vector.extract %slice3A_64[0] : i32 from vector<1xi32>
      %multiple_of3A_66 = tpu.assume_multiple %squeeze3A_65, 128 : i32
      %dma_start3A_67 = arith.constant 0 : i32
      %dma_start3A_68 = tpu.memref_slice %arg4[%dma_start3A_67, %multiple_of3A_63] : memref<32x1000000xf32, #tpu.memory_space<hbm>> -> memref<32x128xf32, #tpu.memory_space<hbm>>
      %dma_start3A_69 = arith.constant 0 : i32
      %dma_start3A_70 = tpu.memref_slice %arg4[%dma_start3A_69, %multiple_of3A_63] : memref<32x1000000xf32, #tpu.memory_space<hbm>> -> memref<32x128xf32, #tpu.memory_space<hbm>>
      tpu.enqueue_dma source(%dma_start3A_70 : memref<32x128xf32, #tpu.memory_space<hbm>>) target(%arg18 : memref<32x128xf32, #tpu.memory_space<vmem>>) target_semaphore(%arg34 : memref<!tpu.dma_semaphore, #tpu.memory_space<semaphore_mem>>)
      %dma_start3A_71 = arith.constant 0 : i32
      %dma_start3A_72 = tpu.memref_slice %arg5[%dma_start3A_71, %multiple_of3A_66] : memref<32x1000000xf32, #tpu.memory_space<hbm>> -> memref<32x128xf32, #tpu.memory_space<hbm>>
      %dma_start3A_73 = arith.constant 0 : i32
      %dma_start3A_74 = tpu.memref_slice %arg5[%dma_start3A_73, %multiple_of3A_66] : memref<32x1000000xf32, #tpu.memory_space<hbm>> -> memref<32x128xf32, #tpu.memory_space<hbm>>
      tpu.enqueue_dma source(%dma_start3A_74 : memref<32x128xf32, #tpu.memory_space<hbm>>) target(%arg26 : memref<32x128xf32, #tpu.memory_space<vmem>>) target_semaphore(%arg42 : memref<!tpu.dma_semaphore, #tpu.memory_space<semaphore_mem>>)
      %slice3A_75 = vector.extract_strided_slice %mul3A_38 {offsets = [2], sizes = [1], strides = [1]} : vector<16xi32> to vector<1xi32>
      %squeeze3A_76 = vector.extract %slice3A_75[0] : i32 from vector<1xi32>
      %multiple_of3A_77 = tpu.assume_multiple %squeeze3A_76, 128 : i32
      %slice3A_78 = vector.extract_strided_slice %mul3A_44 {offsets = [2], sizes = [1], strides = [1]} : vector<16xi32> to vector<1xi32>
      %squeeze3A_79 = vector.extract %slice3A_78[0] : i32 from vector<1xi32>
      %multiple_of3A_80 = tpu.assume_multiple %squeeze3A_79, 128 : i32
      %dma_start3A_81 = arith.constant 0 : i32
      %dma_start3A_82 = tpu.memref_slice %arg4[%dma_start3A_81, %multiple_of3A_77] : memref<32x1000000xf32, #tpu.memory_space<hbm>> -> memref<32x128xf32, #tpu.memory_space<hbm>>
      %dma_start3A_83 = arith.constant 0 : i32
      %dma_start3A_84 = tpu.memref_slice %arg4[%dma_start3A_83, %multiple_of3A_77] : memref<32x1000000xf32, #tpu.memory_space<hbm>> -> memref<32x128xf32, #tpu.memory_space<hbm>>
      tpu.enqueue_dma source(%dma_start3A_84 : memref<32x128xf32, #tpu.memory_space<hbm>>) target(%arg19 : memref<32x128xf32, #tpu.memory_space<vmem>>) target_semaphore(%arg35 : memref<!tpu.dma_semaphore, #tpu.memory_space<semaphore_mem>>)
      %dma_start3A_85 = arith.constant 0 : i32
      %dma_start3A_86 = tpu.memref_slice %arg5[%dma_start3A_85, %multiple_of3A_80] : memref<32x1000000xf32, #tpu.memory_space<hbm>> -> memref<32x128xf32, #tpu.memory_space<hbm>>
      %dma_start3A_87 = arith.constant 0 : i32
      %dma_start3A_88 = tpu.memref_slice %arg5[%dma_start3A_87, %multiple_of3A_80] : memref<32x1000000xf32, #tpu.memory_space<hbm>> -> memref<32x128xf32, #tpu.memory_space<hbm>>
      tpu.enqueue_dma source(%dma_start3A_88 : memref<32x128xf32, #tpu.memory_space<hbm>>) target(%arg27 : memref<32x128xf32, #tpu.memory_space<vmem>>) target_semaphore(%arg43 : memref<!tpu.dma_semaphore, #tpu.memory_space<semaphore_mem>>)
      %slice3A_89 = vector.extract_strided_slice %mul3A_38 {offsets = [3], sizes = [1], strides = [1]} : vector<16xi32> to vector<1xi32>
      %squeeze3A_90 = vector.extract %slice3A_89[0] : i32 from vector<1xi32>
      %multiple_of3A_91 = tpu.assume_multiple %squeeze3A_90, 128 : i32
      %slice3A_92 = vector.extract_strided_slice %mul3A_44 {offsets = [3], sizes = [1], strides = [1]} : vector<16xi32> to vector<1xi32>
      %squeeze3A_93 = vector.extract %slice3A_92[0] : i32 from vector<1xi32>
      %multiple_of3A_94 = tpu.assume_multiple %squeeze3A_93, 128 : i32
      %dma_start3A_95 = arith.constant 0 : i32
      %dma_start3A_96 = tpu.memref_slice %arg4[%dma_start3A_95, %multiple_of3A_91] : memref<32x1000000xf32, #tpu.memory_space<hbm>> -> memref<32x128xf32, #tpu.memory_space<hbm>>
      %dma_start3A_97 = arith.constant 0 : i32
      %dma_start3A_98 = tpu.memref_slice %arg4[%dma_start3A_97, %multiple_of3A_91] : memref<32x1000000xf32, #tpu.memory_space<hbm>> -> memref<32x128xf32, #tpu.memory_space<hbm>>
      tpu.enqueue_dma source(%dma_start3A_98 : memref<32x128xf32, #tpu.memory_space<hbm>>) target(%arg20 : memref<32x128xf32, #tpu.memory_space<vmem>>) target_semaphore(%arg36 : memref<!tpu.dma_semaphore, #tpu.memory_space<semaphore_mem>>)
      %dma_start3A_99 = arith.constant 0 : i32
      %dma_start3A_100 = tpu.memref_slice %arg5[%dma_start3A_99, %multiple_of3A_94] : memref<32x1000000xf32, #tpu.memory_space<hbm>> -> memref<32x128xf32, #tpu.memory_space<hbm>>
      %dma_start3A_101 = arith.constant 0 : i32
      %dma_start3A_102 = tpu.memref_slice %arg5[%dma_start3A_101, %multiple_of3A_94] : memref<32x1000000xf32, #tpu.memory_space<hbm>> -> memref<32x128xf32, #tpu.memory_space<hbm>>
      tpu.enqueue_dma source(%dma_start3A_102 : memref<32x128xf32, #tpu.memory_space<hbm>>) target(%arg28 : memref<32x128xf32, #tpu.memory_space<vmem>>) target_semaphore(%arg44 : memref<!tpu.dma_semaphore, #tpu.memory_space<semaphore_mem>>)
      %slice3A_103 = vector.extract_strided_slice %mul3A_38 {offsets = [4], sizes = [1], strides = [1]} : vector<16xi32> to vector<1xi32>
      %squeeze3A_104 = vector.extract %slice3A_103[0] : i32 from vector<1xi32>
      %multiple_of3A_105 = tpu.assume_multiple %squeeze3A_104, 128 : i32
      %slice3A_106 = vector.extract_strided_slice %mul3A_44 {offsets = [4], sizes = [1], strides = [1]} : vector<16xi32> to vector<1xi32>
      %squeeze3A_107 = vector.extract %slice3A_106[0] : i32 from vector<1xi32>
      %multiple_of3A_108 = tpu.assume_multiple %squeeze3A_107, 128 : i32
      %dma_start3A_109 = arith.constant 0 : i32
      %dma_start3A_110 = tpu.memref_slice %arg4[%dma_start3A_109, %multiple_of3A_105] : memref<32x1000000xf32, #tpu.memory_space<hbm>> -> memref<32x128xf32, #tpu.memory_space<hbm>>
      %dma_start3A_111 = arith.constant 0 : i32
      %dma_start3A_112 = tpu.memref_slice %arg4[%dma_start3A_111, %multiple_of3A_105] : memref<32x1000000xf32, #tpu.memory_space<hbm>> -> memref<32x128xf32, #tpu.memory_space<hbm>>
      tpu.enqueue_dma source(%dma_start3A_112 : memref<32x128xf32, #tpu.memory_space<hbm>>) target(%arg21 : memref<32x128xf32, #tpu.memory_space<vmem>>) target_semaphore(%arg37 : memref<!tpu.dma_semaphore, #tpu.memory_space<semaphore_mem>>)
      %dma_start3A_113 = arith.constant 0 : i32
      %dma_start3A_114 = tpu.memref_slice %arg5[%dma_start3A_113, %multiple_of3A_108] : memref<32x1000000xf32, #tpu.memory_space<hbm>> -> memref<32x128xf32, #tpu.memory_space<hbm>>
      %dma_start3A_115 = arith.constant 0 : i32
      %dma_start3A_116 = tpu.memref_slice %arg5[%dma_start3A_115, %multiple_of3A_108] : memref<32x1000000xf32, #tpu.memory_space<hbm>> -> memref<32x128xf32, #tpu.memory_space<hbm>>
      tpu.enqueue_dma source(%dma_start3A_116 : memref<32x128xf32, #tpu.memory_space<hbm>>) target(%arg29 : memref<32x128xf32, #tpu.memory_space<vmem>>) target_semaphore(%arg45 : memref<!tpu.dma_semaphore, #tpu.memory_space<semaphore_mem>>)
      %slice3A_117 = vector.extract_strided_slice %mul3A_38 {offsets = [5], sizes = [1], strides = [1]} : vector<16xi32> to vector<1xi32>
      %squeeze3A_118 = vector.extract %slice3A_117[0] : i32 from vector<1xi32>
      %multiple_of3A_119 = tpu.assume_multiple %squeeze3A_118, 128 : i32
      %slice3A_120 = vector.extract_strided_slice %mul3A_44 {offsets = [5], sizes = [1], strides = [1]} : vector<16xi32> to vector<1xi32>
      %squeeze3A_121 = vector.extract %slice3A_120[0] : i32 from vector<1xi32>
      %multiple_of3A_122 = tpu.assume_multiple %squeeze3A_121, 128 : i32
      %dma_start3A_123 = arith.constant 0 : i32
      %dma_start3A_124 = tpu.memref_slice %arg4[%dma_start3A_123, %multiple_of3A_119] : memref<32x1000000xf32, #tpu.memory_space<hbm>> -> memref<32x128xf32, #tpu.memory_space<hbm>>
      %dma_start3A_125 = arith.constant 0 : i32
      %dma_start3A_126 = tpu.memref_slice %arg4[%dma_start3A_125, %multiple_of3A_119] : memref<32x1000000xf32, #tpu.memory_space<hbm>> -> memref<32x128xf32, #tpu.memory_space<hbm>>
      tpu.enqueue_dma source(%dma_start3A_126 : memref<32x128xf32, #tpu.memory_space<hbm>>) target(%arg22 : memref<32x128xf32, #tpu.memory_space<vmem>>) target_semaphore(%arg38 : memref<!tpu.dma_semaphore, #tpu.memory_space<semaphore_mem>>)
      %dma_start3A_127 = arith.constant 0 : i32
      %dma_start3A_128 = tpu.memref_slice %arg5[%dma_start3A_127, %multiple_of3A_122] : memref<32x1000000xf32, #tpu.memory_space<hbm>> -> memref<32x128xf32, #tpu.memory_space<hbm>>
      %dma_start3A_129 = arith.constant 0 : i32
      %dma_start3A_130 = tpu.memref_slice %arg5[%dma_start3A_129, %multiple_of3A_122] : memref<32x1000000xf32, #tpu.memory_space<hbm>> -> memref<32x128xf32, #tpu.memory_space<hbm>>
      tpu.enqueue_dma source(%dma_start3A_130 : memref<32x128xf32, #tpu.memory_space<hbm>>) target(%arg30 : memref<32x128xf32, #tpu.memory_space<vmem>>) target_semaphore(%arg46 : memref<!tpu.dma_semaphore, #tpu.memory_space<semaphore_mem>>)
      %slice3A_131 = vector.extract_strided_slice %mul3A_38 {offsets = [6], sizes = [1], strides = [1]} : vector<16xi32> to vector<1xi32>
      %squeeze3A_132 = vector.extract %slice3A_131[0] : i32 from vector<1xi32>
      %multiple_of3A_133 = tpu.assume_multiple %squeeze3A_132, 128 : i32
      %slice3A_134 = vector.extract_strided_slice %mul3A_44 {offsets = [6], sizes = [1], strides = [1]} : vector<16xi32> to vector<1xi32>
      %squeeze3A_135 = vector.extract %slice3A_134[0] : i32 from vector<1xi32>
      %multiple_of3A_136 = tpu.assume_multiple %squeeze3A_135, 128 : i32
      %dma_start3A_137 = arith.constant 0 : i32
      %dma_start3A_138 = tpu.memref_slice %arg4[%dma_start3A_137, %multiple_of3A_133] : memref<32x1000000xf32, #tpu.memory_space<hbm>> -> memref<32x128xf32, #tpu.memory_space<hbm>>
      %dma_start3A_139 = arith.constant 0 : i32
      %dma_start3A_140 = tpu.memref_slice %arg4[%dma_start3A_139, %multiple_of3A_133] : memref<32x1000000xf32, #tpu.memory_space<hbm>> -> memref<32x128xf32, #tpu.memory_space<hbm>>
      tpu.enqueue_dma source(%dma_start3A_140 : memref<32x128xf32, #tpu.memory_space<hbm>>) target(%arg23 : memref<32x128xf32, #tpu.memory_space<vmem>>) target_semaphore(%arg39 : memref<!tpu.dma_semaphore, #tpu.memory_space<semaphore_mem>>)
      %dma_start3A_141 = arith.constant 0 : i32
      %dma_start3A_142 = tpu.memref_slice %arg5[%dma_start3A_141, %multiple_of3A_136] : memref<32x1000000xf32, #tpu.memory_space<hbm>> -> memref<32x128xf32, #tpu.memory_space<hbm>>
      %dma_start3A_143 = arith.constant 0 : i32
      %dma_start3A_144 = tpu.memref_slice %arg5[%dma_start3A_143, %multiple_of3A_136] : memref<32x1000000xf32, #tpu.memory_space<hbm>> -> memref<32x128xf32, #tpu.memory_space<hbm>>
      tpu.enqueue_dma source(%dma_start3A_144 : memref<32x128xf32, #tpu.memory_space<hbm>>) target(%arg31 : memref<32x128xf32, #tpu.memory_space<vmem>>) target_semaphore(%arg47 : memref<!tpu.dma_semaphore, #tpu.memory_space<semaphore_mem>>)
      %slice3A_145 = vector.extract_strided_slice %mul3A_38 {offsets = [7], sizes = [1], strides = [1]} : vector<16xi32> to vector<1xi32>
      %squeeze3A_146 = vector.extract %slice3A_145[0] : i32 from vector<1xi32>
      %multiple_of3A_147 = tpu.assume_multiple %squeeze3A_146, 128 : i32
      %slice3A_148 = vector.extract_strided_slice %mul3A_44 {offsets = [7], sizes = [1], strides = [1]} : vector<16xi32> to vector<1xi32>
      %squeeze3A_149 = vector.extract %slice3A_148[0] : i32 from vector<1xi32>
      %multiple_of3A_150 = tpu.assume_multiple %squeeze3A_149, 128 : i32
      %dma_start3A_151 = arith.constant 0 : i32
      %dma_start3A_152 = tpu.memref_slice %arg4[%dma_start3A_151, %multiple_of3A_147] : memref<32x1000000xf32, #tpu.memory_space<hbm>> -> memref<32x128xf32, #tpu.memory_space<hbm>>
      %dma_start3A_153 = arith.constant 0 : i32
      %dma_start3A_154 = tpu.memref_slice %arg4[%dma_start3A_153, %multiple_of3A_147] : memref<32x1000000xf32, #tpu.memory_space<hbm>> -> memref<32x128xf32, #tpu.memory_space<hbm>>
      tpu.enqueue_dma source(%dma_start3A_154 : memref<32x128xf32, #tpu.memory_space<hbm>>) target(%arg24 : memref<32x128xf32, #tpu.memory_space<vmem>>) target_semaphore(%arg40 : memref<!tpu.dma_semaphore, #tpu.memory_space<semaphore_mem>>)
      %dma_start3A_155 = arith.constant 0 : i32
      %dma_start3A_156 = tpu.memref_slice %arg5[%dma_start3A_155, %multiple_of3A_150] : memref<32x1000000xf32, #tpu.memory_space<hbm>> -> memref<32x128xf32, #tpu.memory_space<hbm>>
      %dma_start3A_157 = arith.constant 0 : i32
      %dma_start3A_158 = tpu.memref_slice %arg5[%dma_start3A_157, %multiple_of3A_150] : memref<32x1000000xf32, #tpu.memory_space<hbm>> -> memref<32x128xf32, #tpu.memory_space<hbm>>
      tpu.enqueue_dma source(%dma_start3A_158 : memref<32x128xf32, #tpu.memory_space<hbm>>) target(%arg32 : memref<32x128xf32, #tpu.memory_space<vmem>>) target_semaphore(%arg48 : memref<!tpu.dma_semaphore, #tpu.memory_space<semaphore_mem>>)
      %dma_wait3A_159 = arith.constant 0 : i32
      %dma_wait3A_160 = tpu.memref_slice %arg4[%dma_wait3A_159, %multiple_of3A] : memref<32x1000000xf32, #tpu.memory_space<hbm>> -> memref<32x128xf32, #tpu.memory_space<hbm>>
      %dma_wait3A_161 = arith.constant 0 : i32
      %dma_wait3A_162 = tpu.memref_slice %arg4[%dma_wait3A_161, %multiple_of3A] : memref<32x1000000xf32, #tpu.memory_space<hbm>> -> memref<32x128xf32, #tpu.memory_space<hbm>>
      tpu.wait_dma2 semaphore(%arg33 : memref<!tpu.dma_semaphore, #tpu.memory_space<semaphore_mem>>) src(%dma_wait3A_162 : memref<32x128xf32, #tpu.memory_space<hbm>>) dst(%arg17 : memref<32x128xf32, #tpu.memory_space<vmem>>)
      %dma_wait3A_163 = arith.constant 0 : i32
      %dma_wait3A_164 = tpu.memref_slice %arg5[%dma_wait3A_163, %multiple_of3A_52] : memref<32x1000000xf32, #tpu.memory_space<hbm>> -> memref<32x128xf32, #tpu.memory_space<hbm>>
      %dma_wait3A_165 = arith.constant 0 : i32
      %dma_wait3A_166 = tpu.memref_slice %arg5[%dma_wait3A_165, %multiple_of3A_52] : memref<32x1000000xf32, #tpu.memory_space<hbm>> -> memref<32x128xf32, #tpu.memory_space<hbm>>
      tpu.wait_dma2 semaphore(%arg41 : memref<!tpu.dma_semaphore, #tpu.memory_space<semaphore_mem>>) src(%dma_wait3A_166 : memref<32x128xf32, #tpu.memory_space<hbm>>) dst(%arg25 : memref<32x128xf32, #tpu.memory_space<vmem>>)
      %slice3A_167 = vector.extract_strided_slice %and3A_46 {offsets = [0], sizes = [1], strides = [1]} : vector<16xi32> to vector<1xi32>
      %squeeze3A_168 = vector.extract %slice3A_167[0] : i32 from vector<1xi32>
      %broadcast_in_dim3A = vector.broadcast %squeeze3A_168 : i32 to vector<16xi32>
      %slice3A_169 = vector.extract_strided_slice %and3A_49 {offsets = [0], sizes = [1], strides = [1]} : vector<16xi32> to vector<1xi32>
      %squeeze3A_170 = vector.extract %slice3A_169[0] : i32 from vector<1xi32>
      %broadcast_in_dim3A_171 = vector.broadcast %squeeze3A_170 : i32 to vector<16xi32>
      %gather3A = tpu.vector_load_idx %arg17[%iota3A, %broadcast_in_dim3A] : memref<32x128xf32, #tpu.memory_space<vmem>>[vector<16xi32>, vector<16xi32>], vector<16xf32>,
      %gather3A_172 = tpu.vector_load_idx %arg17[%add3A_8, %broadcast_in_dim3A] : memref<32x128xf32, #tpu.memory_space<vmem>>[vector<16xi32>, vector<16xi32>], vector<16xf32>,
      %gather3A_173 = tpu.vector_load_idx %arg25[%iota3A, %broadcast_in_dim3A_171] : memref<32x128xf32, #tpu.memory_space<vmem>>[vector<16xi32>, vector<16xi32>], vector<16xf32>,
      %gather3A_174 = tpu.vector_load_idx %arg25[%add3A_8, %broadcast_in_dim3A_171] : memref<32x128xf32, #tpu.memory_space<vmem>>[vector<16xi32>, vector<16xi32>], vector<16xf32>,
      %mul3A_175 = arith.mulf %gather3A, %gather3A_173 : vector<16xf32>
      %mul3A_176 = arith.mulf %gather3A_172, %gather3A_174 : vector<16xf32>
      %add3A_177 = arith.addf %mul3A_175, %mul3A_176 : vector<16xf32>
      %add3A_178 = arith.constant 0 : i32
      %add3A_179 = vector.broadcast %add3A_178 : i32 to vector<16xi32>
      %add3A_180 = arith.addi %mul3A_11, %add3A_179 : vector<16xi32>
      tpu.vector_store_idx %arg16[%add3A_180], %add3A_177 : memref<256xf32, #tpu.memory_space<vmem>>[vector<16xi32>], vector<16xf32>,
      %slice3A_181 = vector.extract_strided_slice %mul3A_38 {offsets = [8], sizes = [1], strides = [1]} : vector<16xi32> to vector<1xi32>
      %squeeze3A_182 = vector.extract %slice3A_181[0] : i32 from vector<1xi32>
      %multiple_of3A_183 = tpu.assume_multiple %squeeze3A_182, 128 : i32
      %slice3A_184 = vector.extract_strided_slice %mul3A_44 {offsets = [8], sizes = [1], strides = [1]} : vector<16xi32> to vector<1xi32>
      %squeeze3A_185 = vector.extract %slice3A_184[0] : i32 from vector<1xi32>
      %multiple_of3A_186 = tpu.assume_multiple %squeeze3A_185, 128 : i32
      %dma_start3A_187 = arith.constant 0 : i32
      %dma_start3A_188 = tpu.memref_slice %arg4[%dma_start3A_187, %multiple_of3A_183] : memref<32x1000000xf32, #tpu.memory_space<hbm>> -> memref<32x128xf32, #tpu.memory_space<hbm>>
      %dma_start3A_189 = arith.constant 0 : i32
      %dma_start3A_190 = tpu.memref_slice %arg4[%dma_start3A_189, %multiple_of3A_183] : memref<32x1000000xf32, #tpu.memory_space<hbm>> -> memref<32x128xf32, #tpu.memory_space<hbm>>
      tpu.enqueue_dma source(%dma_start3A_190 : memref<32x128xf32, #tpu.memory_space<hbm>>) target(%arg17 : memref<32x128xf32, #tpu.memory_space<vmem>>) target_semaphore(%arg33 : memref<!tpu.dma_semaphore, #tpu.memory_space<semaphore_mem>>)
      %dma_start3A_191 = arith.constant 0 : i32
      %dma_start3A_192 = tpu.memref_slice %arg5[%dma_start3A_191, %multiple_of3A_186] : memref<32x1000000xf32, #tpu.memory_space<hbm>> -> memref<32x128xf32, #tpu.memory_space<hbm>>
      %dma_start3A_193 = arith.constant 0 : i32
      %dma_start3A_194 = tpu.memref_slice %arg5[%dma_start3A_193, %multiple_of3A_186] : memref<32x1000000xf32, #tpu.memory_space<hbm>> -> memref<32x128xf32, #tpu.memory_space<hbm>>
      tpu.enqueue_dma source(%dma_start3A_194 : memref<32x128xf32, #tpu.memory_space<hbm>>) target(%arg25 : memref<32x128xf32, #tpu.memory_space<vmem>>) target_semaphore(%arg41 : memref<!tpu.dma_semaphore, #tpu.memory_space<semaphore_mem>>)
      %dma_wait3A_195 = arith.constant 0 : i32
      %dma_wait3A_196 = tpu.memref_slice %arg4[%dma_wait3A_195, %multiple_of3A_63] : memref<32x1000000xf32, #tpu.memory_space<hbm>> -> memref<32x128xf32, #tpu.memory_space<hbm>>
      %dma_wait3A_197 = arith.constant 0 : i32
      %dma_wait3A_198 = tpu.memref_slice %arg4[%dma_wait3A_197, %multiple_of3A_63] : memref<32x1000000xf32, #tpu.memory_space<hbm>> -> memref<32x128xf32, #tpu.memory_space<hbm>>
      tpu.wait_dma2 semaphore(%arg34 : memref<!tpu.dma_semaphore, #tpu.memory_space<semaphore_mem>>) src(%dma_wait3A_198 : memref<32x128xf32, #tpu.memory_space<hbm>>) dst(%arg18 : memref<32x128xf32, #tpu.memory_space<vmem>>)
      %dma_wait3A_199 = arith.constant 0 : i32
      %dma_wait3A_200 = tpu.memref_slice %arg5[%dma_wait3A_199, %multiple_of3A_66] : memref<32x1000000xf32, #tpu.memory_space<hbm>> -> memref<32x128xf32, #tpu.memory_space<hbm>>
      %dma_wait3A_201 = arith.constant 0 : i32
      %dma_wait3A_202 = tpu.memref_slice %arg5[%dma_wait3A_201, %multiple_of3A_66] : memref<32x1000000xf32, #tpu.memory_space<hbm>> -> memref<32x128xf32, #tpu.memory_space<hbm>>
      tpu.wait_dma2 semaphore(%arg42 : memref<!tpu.dma_semaphore, #tpu.memory_space<semaphore_mem>>) src(%dma_wait3A_202 : memref<32x128xf32, #tpu.memory_space<hbm>>) dst(%arg26 : memref<32x128xf32, #tpu.memory_space<vmem>>)
      %slice3A_203 = vector.extract_strided_slice %and3A_46 {offsets = [1], sizes = [1], strides = [1]} : vector<16xi32> to vector<1xi32>
      %squeeze3A_204 = vector.extract %slice3A_203[0] : i32 from vector<1xi32>
      %broadcast_in_dim3A_205 = vector.broadcast %squeeze3A_204 : i32 to vector<16xi32>
      %slice3A_206 = vector.extract_strided_slice %and3A_49 {offsets = [1], sizes = [1], strides = [1]} : vector<16xi32> to vector<1xi32>
      %squeeze3A_207 = vector.extract %slice3A_206[0] : i32 from vector<1xi32>
      %broadcast_in_dim3A_208 = vector.broadcast %squeeze3A_207 : i32 to vector<16xi32>
      %gather3A_209 = tpu.vector_load_idx %arg18[%iota3A, %broadcast_in_dim3A_205] : memref<32x128xf32, #tpu.memory_space<vmem>>[vector<16xi32>, vector<16xi32>], vector<16xf32>,
      %gather3A_210 = tpu.vector_load_idx %arg18[%add3A_8, %broadcast_in_dim3A_205] : memref<32x128xf32, #tpu.memory_space<vmem>>[vector<16xi32>, vector<16xi32>], vector<16xf32>,
      %gather3A_211 = tpu.vector_load_idx %arg26[%iota3A, %broadcast_in_dim3A_208] : memref<32x128xf32, #tpu.memory_space<vmem>>[vector<16xi32>, vector<16xi32>], vector<16xf32>,
      %gather3A_212 = tpu.vector_load_idx %arg26[%add3A_8, %broadcast_in_dim3A_208] : memref<32x128xf32, #tpu.memory_space<vmem>>[vector<16xi32>, vector<16xi32>], vector<16xf32>,
      %mul3A_213 = arith.mulf %gather3A_209, %gather3A_211 : vector<16xf32>
      %mul3A_214 = arith.mulf %gather3A_210, %gather3A_212 : vector<16xf32>
      %add3A_215 = arith.addf %mul3A_213, %mul3A_214 : vector<16xf32>
      %add3A_216 = arith.constant 1 : i32
      %add3A_217 = vector.broadcast %add3A_216 : i32 to vector<16xi32>
      %add3A_218 = arith.addi %mul3A_11, %add3A_217 : vector<16xi32>
      tpu.vector_store_idx %arg16[%add3A_218], %add3A_215 : memref<256xf32, #tpu.memory_space<vmem>>[vector<16xi32>], vector<16xf32>,
      %slice3A_219 = vector.extract_strided_slice %mul3A_38 {offsets = [9], sizes = [1], strides = [1]} : vector<16xi32> to vector<1xi32>
      %squeeze3A_220 = vector.extract %slice3A_219[0] : i32 from vector<1xi32>
      %multiple_of3A_221 = tpu.assume_multiple %squeeze3A_220, 128 : i32
      %slice3A_222 = vector.extract_strided_slice %mul3A_44 {offsets = [9], sizes = [1], strides = [1]} : vector<16xi32> to vector<1xi32>
      %squeeze3A_223 = vector.extract %slice3A_222[0] : i32 from vector<1xi32>
      %multiple_of3A_224 = tpu.assume_multiple %squeeze3A_223, 128 : i32
      %dma_start3A_225 = arith.constant 0 : i32
      %dma_start3A_226 = tpu.memref_slice %arg4[%dma_start3A_225, %multiple_of3A_221] : memref<32x1000000xf32, #tpu.memory_space<hbm>> -> memref<32x128xf32, #tpu.memory_space<hbm>>
      %dma_start3A_227 = arith.constant 0 : i32
      %dma_start3A_228 = tpu.memref_slice %arg4[%dma_start3A_227, %multiple_of3A_221] : memref<32x1000000xf32, #tpu.memory_space<hbm>> -> memref<32x128xf32, #tpu.memory_space<hbm>>
      tpu.enqueue_dma source(%dma_start3A_228 : memref<32x128xf32, #tpu.memory_space<hbm>>) target(%arg18 : memref<32x128xf32, #tpu.memory_space<vmem>>) target_semaphore(%arg34 : memref<!tpu.dma_semaphore, #tpu.memory_space<semaphore_mem>>)
      %dma_start3A_229 = arith.constant 0 : i32
      %dma_start3A_230 = tpu.memref_slice %arg5[%dma_start3A_229, %multiple_of3A_224] : memref<32x1000000xf32, #tpu.memory_space<hbm>> -> memref<32x128xf32, #tpu.memory_space<hbm>>
      %dma_start3A_231 = arith.constant 0 : i32
      %dma_start3A_232 = tpu.memref_slice %arg5[%dma_start3A_231, %multiple_of3A_224] : memref<32x1000000xf32, #tpu.memory_space<hbm>> -> memref<32x128xf32, #tpu.memory_space<hbm>>
      tpu.enqueue_dma source(%dma_start3A_232 : memref<32x128xf32, #tpu.memory_space<hbm>>) target(%arg26 : memref<32x128xf32, #tpu.memory_space<vmem>>) target_semaphore(%arg42 : memref<!tpu.dma_semaphore, #tpu.memory_space<semaphore_mem>>)
      %dma_wait3A_233 = arith.constant 0 : i32
      %dma_wait3A_234 = tpu.memref_slice %arg4[%dma_wait3A_233, %multiple_of3A_77] : memref<32x1000000xf32, #tpu.memory_space<hbm>> -> memref<32x128xf32, #tpu.memory_space<hbm>>
      %dma_wait3A_235 = arith.constant 0 : i32
      %dma_wait3A_236 = tpu.memref_slice %arg4[%dma_wait3A_235, %multiple_of3A_77] : memref<32x1000000xf32, #tpu.memory_space<hbm>> -> memref<32x128xf32, #tpu.memory_space<hbm>>
      tpu.wait_dma2 semaphore(%arg35 : memref<!tpu.dma_semaphore, #tpu.memory_space<semaphore_mem>>) src(%dma_wait3A_236 : memref<32x128xf32, #tpu.memory_space<hbm>>) dst(%arg19 : memref<32x128xf32, #tpu.memory_space<vmem>>)
      %dma_wait3A_237 = arith.constant 0 : i32
      %dma_wait3A_238 = tpu.memref_slice %arg5[%dma_wait3A_237, %multiple_of3A_80] : memref<32x1000000xf32, #tpu.memory_space<hbm>> -> memref<32x128xf32, #tpu.memory_space<hbm>>
      %dma_wait3A_239 = arith.constant 0 : i32
      %dma_wait3A_240 = tpu.memref_slice %arg5[%dma_wait3A_239, %multiple_of3A_80] : memref<32x1000000xf32, #tpu.memory_space<hbm>> -> memref<32x128xf32, #tpu.memory_space<hbm>>
      tpu.wait_dma2 semaphore(%arg43 : memref<!tpu.dma_semaphore, #tpu.memory_space<semaphore_mem>>) src(%dma_wait3A_240 : memref<32x128xf32, #tpu.memory_space<hbm>>) dst(%arg27 : memref<32x128xf32, #tpu.memory_space<vmem>>)
      %slice3A_241 = vector.extract_strided_slice %and3A_46 {offsets = [2], sizes = [1], strides = [1]} : vector<16xi32> to vector<1xi32>
      %squeeze3A_242 = vector.extract %slice3A_241[0] : i32 from vector<1xi32>
      %broadcast_in_dim3A_243 = vector.broadcast %squeeze3A_242 : i32 to vector<16xi32>
      %slice3A_244 = vector.extract_strided_slice %and3A_49 {offsets = [2], sizes = [1], strides = [1]} : vector<16xi32> to vector<1xi32>
      %squeeze3A_245 = vector.extract %slice3A_244[0] : i32 from vector<1xi32>
      %broadcast_in_dim3A_246 = vector.broadcast %squeeze3A_245 : i32 to vector<16xi32>
      %gather3A_247 = tpu.vector_load_idx %arg19[%iota3A, %broadcast_in_dim3A_243] : memref<32x128xf32, #tpu.memory_space<vmem>>[vector<16xi32>, vector<16xi32>], vector<16xf32>,
      %gather3A_248 = tpu.vector_load_idx %arg19[%add3A_8, %broadcast_in_dim3A_243] : memref<32x128xf32, #tpu.memory_space<vmem>>[vector<16xi32>, vector<16xi32>], vector<16xf32>,
      %gather3A_249 = tpu.vector_load_idx %arg27[%iota3A, %broadcast_in_dim3A_246] : memref<32x128xf32, #tpu.memory_space<vmem>>[vector<16xi32>, vector<16xi32>], vector<16xf32>,
      %gather3A_250 = tpu.vector_load_idx %arg27[%add3A_8, %broadcast_in_dim3A_246] : memref<32x128xf32, #tpu.memory_space<vmem>>[vector<16xi32>, vector<16xi32>], vector<16xf32>,
      %mul3A_251 = arith.mulf %gather3A_247, %gather3A_249 : vector<16xf32>
      %mul3A_252 = arith.mulf %gather3A_248, %gather3A_250 : vector<16xf32>
      %add3A_253 = arith.addf %mul3A_251, %mul3A_252 : vector<16xf32>
      %add3A_254 = arith.constant 2 : i32
      %add3A_255 = vector.broadcast %add3A_254 : i32 to vector<16xi32>
      %add3A_256 = arith.addi %mul3A_11, %add3A_255 : vector<16xi32>
      tpu.vector_store_idx %arg16[%add3A_256], %add3A_253 : memref<256xf32, #tpu.memory_space<vmem>>[vector<16xi32>], vector<16xf32>,
      %slice3A_257 = vector.extract_strided_slice %mul3A_38 {offsets = [10], sizes = [1], strides = [1]} : vector<16xi32> to vector<1xi32>
      %squeeze3A_258 = vector.extract %slice3A_257[0] : i32 from vector<1xi32>
      %multiple_of3A_259 = tpu.assume_multiple %squeeze3A_258, 128 : i32
      %slice3A_260 = vector.extract_strided_slice %mul3A_44 {offsets = [10], sizes = [1], strides = [1]} : vector<16xi32> to vector<1xi32>
      %squeeze3A_261 = vector.extract %slice3A_260[0] : i32 from vector<1xi32>
      %multiple_of3A_262 = tpu.assume_multiple %squeeze3A_261, 128 : i32
      %dma_start3A_263 = arith.constant 0 : i32
      %dma_start3A_264 = tpu.memref_slice %arg4[%dma_start3A_263, %multiple_of3A_259] : memref<32x1000000xf32, #tpu.memory_space<hbm>> -> memref<32x128xf32, #tpu.memory_space<hbm>>
      %dma_start3A_265 = arith.constant 0 : i32
      %dma_start3A_266 = tpu.memref_slice %arg4[%dma_start3A_265, %multiple_of3A_259] : memref<32x1000000xf32, #tpu.memory_space<hbm>> -> memref<32x128xf32, #tpu.memory_space<hbm>>
      tpu.enqueue_dma source(%dma_start3A_266 : memref<32x128xf32, #tpu.memory_space<hbm>>) target(%arg19 : memref<32x128xf32, #tpu.memory_space<vmem>>) target_semaphore(%arg35 : memref<!tpu.dma_semaphore, #tpu.memory_space<semaphore_mem>>)
      %dma_start3A_267 = arith.constant 0 : i32
      %dma_start3A_268 = tpu.memref_slice %arg5[%dma_start3A_267, %multiple_of3A_262] : memref<32x1000000xf32, #tpu.memory_space<hbm>> -> memref<32x128xf32, #tpu.memory_space<hbm>>
      %dma_start3A_269 = arith.constant 0 : i32
      %dma_start3A_270 = tpu.memref_slice %arg5[%dma_start3A_269, %multiple_of3A_262] : memref<32x1000000xf32, #tpu.memory_space<hbm>> -> memref<32x128xf32, #tpu.memory_space<hbm>>
      tpu.enqueue_dma source(%dma_start3A_270 : memref<32x128xf32, #tpu.memory_space<hbm>>) target(%arg27 : memref<32x128xf32, #tpu.memory_space<vmem>>) target_semaphore(%arg43 : memref<!tpu.dma_semaphore, #tpu.memory_space<semaphore_mem>>)
      %dma_wait3A_271 = arith.constant 0 : i32
      %dma_wait3A_272 = tpu.memref_slice %arg4[%dma_wait3A_271, %multiple_of3A_91] : memref<32x1000000xf32, #tpu.memory_space<hbm>> -> memref<32x128xf32, #tpu.memory_space<hbm>>
      %dma_wait3A_273 = arith.constant 0 : i32
      %dma_wait3A_274 = tpu.memref_slice %arg4[%dma_wait3A_273, %multiple_of3A_91] : memref<32x1000000xf32, #tpu.memory_space<hbm>> -> memref<32x128xf32, #tpu.memory_space<hbm>>
      tpu.wait_dma2 semaphore(%arg36 : memref<!tpu.dma_semaphore, #tpu.memory_space<semaphore_mem>>) src(%dma_wait3A_274 : memref<32x128xf32, #tpu.memory_space<hbm>>) dst(%arg20 : memref<32x128xf32, #tpu.memory_space<vmem>>)
      %dma_wait3A_275 = arith.constant 0 : i32
      %dma_wait3A_276 = tpu.memref_slice %arg5[%dma_wait3A_275, %multiple_of3A_94] : memref<32x1000000xf32, #tpu.memory_space<hbm>> -> memref<32x128xf32, #tpu.memory_space<hbm>>
      %dma_wait3A_277 = arith.constant 0 : i32
      %dma_wait3A_278 = tpu.memref_slice %arg5[%dma_wait3A_277, %multiple_of3A_94] : memref<32x1000000xf32, #tpu.memory_space<hbm>> -> memref<32x128xf32, #tpu.memory_space<hbm>>
      tpu.wait_dma2 semaphore(%arg44 : memref<!tpu.dma_semaphore, #tpu.memory_space<semaphore_mem>>) src(%dma_wait3A_278 : memref<32x128xf32, #tpu.memory_space<hbm>>) dst(%arg28 : memref<32x128xf32, #tpu.memory_space<vmem>>)
      %slice3A_279 = vector.extract_strided_slice %and3A_46 {offsets = [3], sizes = [1], strides = [1]} : vector<16xi32> to vector<1xi32>
      %squeeze3A_280 = vector.extract %slice3A_279[0] : i32 from vector<1xi32>
      %broadcast_in_dim3A_281 = vector.broadcast %squeeze3A_280 : i32 to vector<16xi32>
      %slice3A_282 = vector.extract_strided_slice %and3A_49 {offsets = [3], sizes = [1], strides = [1]} : vector<16xi32> to vector<1xi32>
      %squeeze3A_283 = vector.extract %slice3A_282[0] : i32 from vector<1xi32>
      %broadcast_in_dim3A_284 = vector.broadcast %squeeze3A_283 : i32 to vector<16xi32>
      %gather3A_285 = tpu.vector_load_idx %arg20[%iota3A, %broadcast_in_dim3A_281] : memref<32x128xf32, #tpu.memory_space<vmem>>[vector<16xi32>, vector<16xi32>], vector<16xf32>,
      %gather3A_286 = tpu.vector_load_idx %arg20[%add3A_8, %broadcast_in_dim3A_281] : memref<32x128xf32, #tpu.memory_space<vmem>>[vector<16xi32>, vector<16xi32>], vector<16xf32>,
      %gather3A_287 = tpu.vector_load_idx %arg28[%iota3A, %broadcast_in_dim3A_284] : memref<32x128xf32, #tpu.memory_space<vmem>>[vector<16xi32>, vector<16xi32>], vector<16xf32>,
      %gather3A_288 = tpu.vector_load_idx %arg28[%add3A_8, %broadcast_in_dim3A_284] : memref<32x128xf32, #tpu.memory_space<vmem>>[vector<16xi32>, vector<16xi32>], vector<16xf32>,
      %mul3A_289 = arith.mulf %gather3A_285, %gather3A_287 : vector<16xf32>
      %mul3A_290 = arith.mulf %gather3A_286, %gather3A_288 : vector<16xf32>
      %add3A_291 = arith.addf %mul3A_289, %mul3A_290 : vector<16xf32>
      %add3A_292 = arith.constant 3 : i32
      %add3A_293 = vector.broadcast %add3A_292 : i32 to vector<16xi32>
      %add3A_294 = arith.addi %mul3A_11, %add3A_293 : vector<16xi32>
      tpu.vector_store_idx %arg16[%add3A_294], %add3A_291 : memref<256xf32, #tpu.memory_space<vmem>>[vector<16xi32>], vector<16xf32>,
      %slice3A_295 = vector.extract_strided_slice %mul3A_38 {offsets = [11], sizes = [1], strides = [1]} : vector<16xi32> to vector<1xi32>
      %squeeze3A_296 = vector.extract %slice3A_295[0] : i32 from vector<1xi32>
      %multiple_of3A_297 = tpu.assume_multiple %squeeze3A_296, 128 : i32
      %slice3A_298 = vector.extract_strided_slice %mul3A_44 {offsets = [11], sizes = [1], strides = [1]} : vector<16xi32> to vector<1xi32>
      %squeeze3A_299 = vector.extract %slice3A_298[0] : i32 from vector<1xi32>
      %multiple_of3A_300 = tpu.assume_multiple %squeeze3A_299, 128 : i32
      %dma_start3A_301 = arith.constant 0 : i32
      %dma_start3A_302 = tpu.memref_slice %arg4[%dma_start3A_301, %multiple_of3A_297] : memref<32x1000000xf32, #tpu.memory_space<hbm>> -> memref<32x128xf32, #tpu.memory_space<hbm>>
      %dma_start3A_303 = arith.constant 0 : i32
      %dma_start3A_304 = tpu.memref_slice %arg4[%dma_start3A_303, %multiple_of3A_297] : memref<32x1000000xf32, #tpu.memory_space<hbm>> -> memref<32x128xf32, #tpu.memory_space<hbm>>
      tpu.enqueue_dma source(%dma_start3A_304 : memref<32x128xf32, #tpu.memory_space<hbm>>) target(%arg20 : memref<32x128xf32, #tpu.memory_space<vmem>>) target_semaphore(%arg36 : memref<!tpu.dma_semaphore, #tpu.memory_space<semaphore_mem>>)
      %dma_start3A_305 = arith.constant 0 : i32
      %dma_start3A_306 = tpu.memref_slice %arg5[%dma_start3A_305, %multiple_of3A_300] : memref<32x1000000xf32, #tpu.memory_space<hbm>> -> memref<32x128xf32, #tpu.memory_space<hbm>>
      %dma_start3A_307 = arith.constant 0 : i32
      %dma_start3A_308 = tpu.memref_slice %arg5[%dma_start3A_307, %multiple_of3A_300] : memref<32x1000000xf32, #tpu.memory_space<hbm>> -> memref<32x128xf32, #tpu.memory_space<hbm>>
      tpu.enqueue_dma source(%dma_start3A_308 : memref<32x128xf32, #tpu.memory_space<hbm>>) target(%arg28 : memref<32x128xf32, #tpu.memory_space<vmem>>) target_semaphore(%arg44 : memref<!tpu.dma_semaphore, #tpu.memory_space<semaphore_mem>>)
      %dma_wait3A_309 = arith.constant 0 : i32
      %dma_wait3A_310 = tpu.memref_slice %arg4[%dma_wait3A_309, %multiple_of3A_105] : memref<32x1000000xf32, #tpu.memory_space<hbm>> -> memref<32x128xf32, #tpu.memory_space<hbm>>
      %dma_wait3A_311 = arith.constant 0 : i32
      %dma_wait3A_312 = tpu.memref_slice %arg4[%dma_wait3A_311, %multiple_of3A_105] : memref<32x1000000xf32, #tpu.memory_space<hbm>> -> memref<32x128xf32, #tpu.memory_space<hbm>>
      tpu.wait_dma2 semaphore(%arg37 : memref<!tpu.dma_semaphore, #tpu.memory_space<semaphore_mem>>) src(%dma_wait3A_312 : memref<32x128xf32, #tpu.memory_space<hbm>>) dst(%arg21 : memref<32x128xf32, #tpu.memory_space<vmem>>)
      %dma_wait3A_313 = arith.constant 0 : i32
      %dma_wait3A_314 = tpu.memref_slice %arg5[%dma_wait3A_313, %multiple_of3A_108] : memref<32x1000000xf32, #tpu.memory_space<hbm>> -> memref<32x128xf32, #tpu.memory_space<hbm>>
      %dma_wait3A_315 = arith.constant 0 : i32
      %dma_wait3A_316 = tpu.memref_slice %arg5[%dma_wait3A_315, %multiple_of3A_108] : memref<32x1000000xf32, #tpu.memory_space<hbm>> -> memref<32x128xf32, #tpu.memory_space<hbm>>
      tpu.wait_dma2 semaphore(%arg45 : memref<!tpu.dma_semaphore, #tpu.memory_space<semaphore_mem>>) src(%dma_wait3A_316 : memref<32x128xf32, #tpu.memory_space<hbm>>) dst(%arg29 : memref<32x128xf32, #tpu.memory_space<vmem>>)
      %slice3A_317 = vector.extract_strided_slice %and3A_46 {offsets = [4], sizes = [1], strides = [1]} : vector<16xi32> to vector<1xi32>
      %squeeze3A_318 = vector.extract %slice3A_317[0] : i32 from vector<1xi32>
      %broadcast_in_dim3A_319 = vector.broadcast %squeeze3A_318 : i32 to vector<16xi32>
      %slice3A_320 = vector.extract_strided_slice %and3A_49 {offsets = [4], sizes = [1], strides = [1]} : vector<16xi32> to vector<1xi32>
      %squeeze3A_321 = vector.extract %slice3A_320[0] : i32 from vector<1xi32>
      %broadcast_in_dim3A_322 = vector.broadcast %squeeze3A_321 : i32 to vector<16xi32>
      %gather3A_323 = tpu.vector_load_idx %arg21[%iota3A, %broadcast_in_dim3A_319] : memref<32x128xf32, #tpu.memory_space<vmem>>[vector<16xi32>, vector<16xi32>], vector<16xf32>,
      %gather3A_324 = tpu.vector_load_idx %arg21[%add3A_8, %broadcast_in_dim3A_319] : memref<32x128xf32, #tpu.memory_space<vmem>>[vector<16xi32>, vector<16xi32>], vector<16xf32>,
      %gather3A_325 = tpu.vector_load_idx %arg29[%iota3A, %broadcast_in_dim3A_322] : memref<32x128xf32, #tpu.memory_space<vmem>>[vector<16xi32>, vector<16xi32>], vector<16xf32>,
      %gather3A_326 = tpu.vector_load_idx %arg29[%add3A_8, %broadcast_in_dim3A_322] : memref<32x128xf32, #tpu.memory_space<vmem>>[vector<16xi32>, vector<16xi32>], vector<16xf32>,
      %mul3A_327 = arith.mulf %gather3A_323, %gather3A_325 : vector<16xf32>
      %mul3A_328 = arith.mulf %gather3A_324, %gather3A_326 : vector<16xf32>
      %add3A_329 = arith.addf %mul3A_327, %mul3A_328 : vector<16xf32>
      %add3A_330 = arith.constant 4 : i32
      %add3A_331 = vector.broadcast %add3A_330 : i32 to vector<16xi32>
      %add3A_332 = arith.addi %mul3A_11, %add3A_331 : vector<16xi32>
      tpu.vector_store_idx %arg16[%add3A_332], %add3A_329 : memref<256xf32, #tpu.memory_space<vmem>>[vector<16xi32>], vector<16xf32>,
      %slice3A_333 = vector.extract_strided_slice %mul3A_38 {offsets = [12], sizes = [1], strides = [1]} : vector<16xi32> to vector<1xi32>
      %squeeze3A_334 = vector.extract %slice3A_333[0] : i32 from vector<1xi32>
      %multiple_of3A_335 = tpu.assume_multiple %squeeze3A_334, 128 : i32
      %slice3A_336 = vector.extract_strided_slice %mul3A_44 {offsets = [12], sizes = [1], strides = [1]} : vector<16xi32> to vector<1xi32>
      %squeeze3A_337 = vector.extract %slice3A_336[0] : i32 from vector<1xi32>
      %multiple_of3A_338 = tpu.assume_multiple %squeeze3A_337, 128 : i32
      %dma_start3A_339 = arith.constant 0 : i32
      %dma_start3A_340 = tpu.memref_slice %arg4[%dma_start3A_339, %multiple_of3A_335] : memref<32x1000000xf32, #tpu.memory_space<hbm>> -> memref<32x128xf32, #tpu.memory_space<hbm>>
      %dma_start3A_341 = arith.constant 0 : i32
      %dma_start3A_342 = tpu.memref_slice %arg4[%dma_start3A_341, %multiple_of3A_335] : memref<32x1000000xf32, #tpu.memory_space<hbm>> -> memref<32x128xf32, #tpu.memory_space<hbm>>
      tpu.enqueue_dma source(%dma_start3A_342 : memref<32x128xf32, #tpu.memory_space<hbm>>) target(%arg21 : memref<32x128xf32, #tpu.memory_space<vmem>>) target_semaphore(%arg37 : memref<!tpu.dma_semaphore, #tpu.memory_space<semaphore_mem>>)
      %dma_start3A_343 = arith.constant 0 : i32
      %dma_start3A_344 = tpu.memref_slice %arg5[%dma_start3A_343, %multiple_of3A_338] : memref<32x1000000xf32, #tpu.memory_space<hbm>> -> memref<32x128xf32, #tpu.memory_space<hbm>>
      %dma_start3A_345 = arith.constant 0 : i32
      %dma_start3A_346 = tpu.memref_slice %arg5[%dma_start3A_345, %multiple_of3A_338] : memref<32x1000000xf32, #tpu.memory_space<hbm>> -> memref<32x128xf32, #tpu.memory_space<hbm>>
      tpu.enqueue_dma source(%dma_start3A_346 : memref<32x128xf32, #tpu.memory_space<hbm>>) target(%arg29 : memref<32x128xf32, #tpu.memory_space<vmem>>) target_semaphore(%arg45 : memref<!tpu.dma_semaphore, #tpu.memory_space<semaphore_mem>>)
      %dma_wait3A_347 = arith.constant 0 : i32
      %dma_wait3A_348 = tpu.memref_slice %arg4[%dma_wait3A_347, %multiple_of3A_119] : memref<32x1000000xf32, #tpu.memory_space<hbm>> -> memref<32x128xf32, #tpu.memory_space<hbm>>
      %dma_wait3A_349 = arith.constant 0 : i32
      %dma_wait3A_350 = tpu.memref_slice %arg4[%dma_wait3A_349, %multiple_of3A_119] : memref<32x1000000xf32, #tpu.memory_space<hbm>> -> memref<32x128xf32, #tpu.memory_space<hbm>>
      tpu.wait_dma2 semaphore(%arg38 : memref<!tpu.dma_semaphore, #tpu.memory_space<semaphore_mem>>) src(%dma_wait3A_350 : memref<32x128xf32, #tpu.memory_space<hbm>>) dst(%arg22 : memref<32x128xf32, #tpu.memory_space<vmem>>)
      %dma_wait3A_351 = arith.constant 0 : i32
      %dma_wait3A_352 = tpu.memref_slice %arg5[%dma_wait3A_351, %multiple_of3A_122] : memref<32x1000000xf32, #tpu.memory_space<hbm>> -> memref<32x128xf32, #tpu.memory_space<hbm>>
      %dma_wait3A_353 = arith.constant 0 : i32
      %dma_wait3A_354 = tpu.memref_slice %arg5[%dma_wait3A_353, %multiple_of3A_122] : memref<32x1000000xf32, #tpu.memory_space<hbm>> -> memref<32x128xf32, #tpu.memory_space<hbm>>
      tpu.wait_dma2 semaphore(%arg46 : memref<!tpu.dma_semaphore, #tpu.memory_space<semaphore_mem>>) src(%dma_wait3A_354 : memref<32x128xf32, #tpu.memory_space<hbm>>) dst(%arg30 : memref<32x128xf32, #tpu.memory_space<vmem>>)
      %slice3A_355 = vector.extract_strided_slice %and3A_46 {offsets = [5], sizes = [1], strides = [1]} : vector<16xi32> to vector<1xi32>
      %squeeze3A_356 = vector.extract %slice3A_355[0] : i32 from vector<1xi32>
      %broadcast_in_dim3A_357 = vector.broadcast %squeeze3A_356 : i32 to vector<16xi32>
      %slice3A_358 = vector.extract_strided_slice %and3A_49 {offsets = [5], sizes = [1], strides = [1]} : vector<16xi32> to vector<1xi32>
      %squeeze3A_359 = vector.extract %slice3A_358[0] : i32 from vector<1xi32>
      %broadcast_in_dim3A_360 = vector.broadcast %squeeze3A_359 : i32 to vector<16xi32>
      %gather3A_361 = tpu.vector_load_idx %arg22[%iota3A, %broadcast_in_dim3A_357] : memref<32x128xf32, #tpu.memory_space<vmem>>[vector<16xi32>, vector<16xi32>], vector<16xf32>,
      %gather3A_362 = tpu.vector_load_idx %arg22[%add3A_8, %broadcast_in_dim3A_357] : memref<32x128xf32, #tpu.memory_space<vmem>>[vector<16xi32>, vector<16xi32>], vector<16xf32>,
      %gather3A_363 = tpu.vector_load_idx %arg30[%iota3A, %broadcast_in_dim3A_360] : memref<32x128xf32, #tpu.memory_space<vmem>>[vector<16xi32>, vector<16xi32>], vector<16xf32>,
      %gather3A_364 = tpu.vector_load_idx %arg30[%add3A_8, %broadcast_in_dim3A_360] : memref<32x128xf32, #tpu.memory_space<vmem>>[vector<16xi32>, vector<16xi32>], vector<16xf32>,
      %mul3A_365 = arith.mulf %gather3A_361, %gather3A_363 : vector<16xf32>
      %mul3A_366 = arith.mulf %gather3A_362, %gather3A_364 : vector<16xf32>
      %add3A_367 = arith.addf %mul3A_365, %mul3A_366 : vector<16xf32>
      %add3A_368 = arith.constant 5 : i32
      %add3A_369 = vector.broadcast %add3A_368 : i32 to vector<16xi32>
      %add3A_370 = arith.addi %mul3A_11, %add3A_369 : vector<16xi32>
      tpu.vector_store_idx %arg16[%add3A_370], %add3A_367 : memref<256xf32, #tpu.memory_space<vmem>>[vector<16xi32>], vector<16xf32>,
      %slice3A_371 = vector.extract_strided_slice %mul3A_38 {offsets = [13], sizes = [1], strides = [1]} : vector<16xi32> to vector<1xi32>
      %squeeze3A_372 = vector.extract %slice3A_371[0] : i32 from vector<1xi32>
      %multiple_of3A_373 = tpu.assume_multiple %squeeze3A_372, 128 : i32
      %slice3A_374 = vector.extract_strided_slice %mul3A_44 {offsets = [13], sizes = [1], strides = [1]} : vector<16xi32> to vector<1xi32>
      %squeeze3A_375 = vector.extract %slice3A_374[0] : i32 from vector<1xi32>
      %multiple_of3A_376 = tpu.assume_multiple %squeeze3A_375, 128 : i32
      %dma_start3A_377 = arith.constant 0 : i32
      %dma_start3A_378 = tpu.memref_slice %arg4[%dma_start3A_377, %multiple_of3A_373] : memref<32x1000000xf32, #tpu.memory_space<hbm>> -> memref<32x128xf32, #tpu.memory_space<hbm>>
      %dma_start3A_379 = arith.constant 0 : i32
      %dma_start3A_380 = tpu.memref_slice %arg4[%dma_start3A_379, %multiple_of3A_373] : memref<32x1000000xf32, #tpu.memory_space<hbm>> -> memref<32x128xf32, #tpu.memory_space<hbm>>
      tpu.enqueue_dma source(%dma_start3A_380 : memref<32x128xf32, #tpu.memory_space<hbm>>) target(%arg22 : memref<32x128xf32, #tpu.memory_space<vmem>>) target_semaphore(%arg38 : memref<!tpu.dma_semaphore, #tpu.memory_space<semaphore_mem>>)
      %dma_start3A_381 = arith.constant 0 : i32
      %dma_start3A_382 = tpu.memref_slice %arg5[%dma_start3A_381, %multiple_of3A_376] : memref<32x1000000xf32, #tpu.memory_space<hbm>> -> memref<32x128xf32, #tpu.memory_space<hbm>>
      %dma_start3A_383 = arith.constant 0 : i32
      %dma_start3A_384 = tpu.memref_slice %arg5[%dma_start3A_383, %multiple_of3A_376] : memref<32x1000000xf32, #tpu.memory_space<hbm>> -> memref<32x128xf32, #tpu.memory_space<hbm>>
      tpu.enqueue_dma source(%dma_start3A_384 : memref<32x128xf32, #tpu.memory_space<hbm>>) target(%arg30 : memref<32x128xf32, #tpu.memory_space<vmem>>) target_semaphore(%arg46 : memref<!tpu.dma_semaphore, #tpu.memory_space<semaphore_mem>>)
      %dma_wait3A_385 = arith.constant 0 : i32
      %dma_wait3A_386 = tpu.memref_slice %arg4[%dma_wait3A_385, %multiple_of3A_133] : memref<32x1000000xf32, #tpu.memory_space<hbm>> -> memref<32x128xf32, #tpu.memory_space<hbm>>
      %dma_wait3A_387 = arith.constant 0 : i32
      %dma_wait3A_388 = tpu.memref_slice %arg4[%dma_wait3A_387, %multiple_of3A_133] : memref<32x1000000xf32, #tpu.memory_space<hbm>> -> memref<32x128xf32, #tpu.memory_space<hbm>>
      tpu.wait_dma2 semaphore(%arg39 : memref<!tpu.dma_semaphore, #tpu.memory_space<semaphore_mem>>) src(%dma_wait3A_388 : memref<32x128xf32, #tpu.memory_space<hbm>>) dst(%arg23 : memref<32x128xf32, #tpu.memory_space<vmem>>)
      %dma_wait3A_389 = arith.constant 0 : i32
      %dma_wait3A_390 = tpu.memref_slice %arg5[%dma_wait3A_389, %multiple_of3A_136] : memref<32x1000000xf32, #tpu.memory_space<hbm>> -> memref<32x128xf32, #tpu.memory_space<hbm>>
      %dma_wait3A_391 = arith.constant 0 : i32
      %dma_wait3A_392 = tpu.memref_slice %arg5[%dma_wait3A_391, %multiple_of3A_136] : memref<32x1000000xf32, #tpu.memory_space<hbm>> -> memref<32x128xf32, #tpu.memory_space<hbm>>
      tpu.wait_dma2 semaphore(%arg47 : memref<!tpu.dma_semaphore, #tpu.memory_space<semaphore_mem>>) src(%dma_wait3A_392 : memref<32x128xf32, #tpu.memory_space<hbm>>) dst(%arg31 : memref<32x128xf32, #tpu.memory_space<vmem>>)
      %slice3A_393 = vector.extract_strided_slice %and3A_46 {offsets = [6], sizes = [1], strides = [1]} : vector<16xi32> to vector<1xi32>
      %squeeze3A_394 = vector.extract %slice3A_393[0] : i32 from vector<1xi32>
      %broadcast_in_dim3A_395 = vector.broadcast %squeeze3A_394 : i32 to vector<16xi32>
      %slice3A_396 = vector.extract_strided_slice %and3A_49 {offsets = [6], sizes = [1], strides = [1]} : vector<16xi32> to vector<1xi32>
      %squeeze3A_397 = vector.extract %slice3A_396[0] : i32 from vector<1xi32>
      %broadcast_in_dim3A_398 = vector.broadcast %squeeze3A_397 : i32 to vector<16xi32>
      %gather3A_399 = tpu.vector_load_idx %arg23[%iota3A, %broadcast_in_dim3A_395] : memref<32x128xf32, #tpu.memory_space<vmem>>[vector<16xi32>, vector<16xi32>], vector<16xf32>,
      %gather3A_400 = tpu.vector_load_idx %arg23[%add3A_8, %broadcast_in_dim3A_395] : memref<32x128xf32, #tpu.memory_space<vmem>>[vector<16xi32>, vector<16xi32>], vector<16xf32>,
      %gather3A_401 = tpu.vector_load_idx %arg31[%iota3A, %broadcast_in_dim3A_398] : memref<32x128xf32, #tpu.memory_space<vmem>>[vector<16xi32>, vector<16xi32>], vector<16xf32>,
      %gather3A_402 = tpu.vector_load_idx %arg31[%add3A_8, %broadcast_in_dim3A_398] : memref<32x128xf32, #tpu.memory_space<vmem>>[vector<16xi32>, vector<16xi32>], vector<16xf32>,
      %mul3A_403 = arith.mulf %gather3A_399, %gather3A_401 : vector<16xf32>
      %mul3A_404 = arith.mulf %gather3A_400, %gather3A_402 : vector<16xf32>
      %add3A_405 = arith.addf %mul3A_403, %mul3A_404 : vector<16xf32>
      %add3A_406 = arith.constant 6 : i32
      %add3A_407 = vector.broadcast %add3A_406 : i32 to vector<16xi32>
      %add3A_408 = arith.addi %mul3A_11, %add3A_407 : vector<16xi32>
      tpu.vector_store_idx %arg16[%add3A_408], %add3A_405 : memref<256xf32, #tpu.memory_space<vmem>>[vector<16xi32>], vector<16xf32>,
      %slice3A_409 = vector.extract_strided_slice %mul3A_38 {offsets = [14], sizes = [1], strides = [1]} : vector<16xi32> to vector<1xi32>
      %squeeze3A_410 = vector.extract %slice3A_409[0] : i32 from vector<1xi32>
      %multiple_of3A_411 = tpu.assume_multiple %squeeze3A_410, 128 : i32
      %slice3A_412 = vector.extract_strided_slice %mul3A_44 {offsets = [14], sizes = [1], strides = [1]} : vector<16xi32> to vector<1xi32>
      %squeeze3A_413 = vector.extract %slice3A_412[0] : i32 from vector<1xi32>
      %multiple_of3A_414 = tpu.assume_multiple %squeeze3A_413, 128 : i32
      %dma_start3A_415 = arith.constant 0 : i32
      %dma_start3A_416 = tpu.memref_slice %arg4[%dma_start3A_415, %multiple_of3A_411] : memref<32x1000000xf32, #tpu.memory_space<hbm>> -> memref<32x128xf32, #tpu.memory_space<hbm>>
      %dma_start3A_417 = arith.constant 0 : i32
      %dma_start3A_418 = tpu.memref_slice %arg4[%dma_start3A_417, %multiple_of3A_411] : memref<32x1000000xf32, #tpu.memory_space<hbm>> -> memref<32x128xf32, #tpu.memory_space<hbm>>
      tpu.enqueue_dma source(%dma_start3A_418 : memref<32x128xf32, #tpu.memory_space<hbm>>) target(%arg23 : memref<32x128xf32, #tpu.memory_space<vmem>>) target_semaphore(%arg39 : memref<!tpu.dma_semaphore, #tpu.memory_space<semaphore_mem>>)
      %dma_start3A_419 = arith.constant 0 : i32
      %dma_start3A_420 = tpu.memref_slice %arg5[%dma_start3A_419, %multiple_of3A_414] : memref<32x1000000xf32, #tpu.memory_space<hbm>> -> memref<32x128xf32, #tpu.memory_space<hbm>>
      %dma_start3A_421 = arith.constant 0 : i32
      %dma_start3A_422 = tpu.memref_slice %arg5[%dma_start3A_421, %multiple_of3A_414] : memref<32x1000000xf32, #tpu.memory_space<hbm>> -> memref<32x128xf32, #tpu.memory_space<hbm>>
      tpu.enqueue_dma source(%dma_start3A_422 : memref<32x128xf32, #tpu.memory_space<hbm>>) target(%arg31 : memref<32x128xf32, #tpu.memory_space<vmem>>) target_semaphore(%arg47 : memref<!tpu.dma_semaphore, #tpu.memory_space<semaphore_mem>>)
      %dma_wait3A_423 = arith.constant 0 : i32
      %dma_wait3A_424 = tpu.memref_slice %arg4[%dma_wait3A_423, %multiple_of3A_147] : memref<32x1000000xf32, #tpu.memory_space<hbm>> -> memref<32x128xf32, #tpu.memory_space<hbm>>
      %dma_wait3A_425 = arith.constant 0 : i32
      %dma_wait3A_426 = tpu.memref_slice %arg4[%dma_wait3A_425, %multiple_of3A_147] : memref<32x1000000xf32, #tpu.memory_space<hbm>> -> memref<32x128xf32, #tpu.memory_space<hbm>>
      tpu.wait_dma2 semaphore(%arg40 : memref<!tpu.dma_semaphore, #tpu.memory_space<semaphore_mem>>) src(%dma_wait3A_426 : memref<32x128xf32, #tpu.memory_space<hbm>>) dst(%arg24 : memref<32x128xf32, #tpu.memory_space<vmem>>)
      %dma_wait3A_427 = arith.constant 0 : i32
      %dma_wait3A_428 = tpu.memref_slice %arg5[%dma_wait3A_427, %multiple_of3A_150] : memref<32x1000000xf32, #tpu.memory_space<hbm>> -> memref<32x128xf32, #tpu.memory_space<hbm>>
      %dma_wait3A_429 = arith.constant 0 : i32
      %dma_wait3A_430 = tpu.memref_slice %arg5[%dma_wait3A_429, %multiple_of3A_150] : memref<32x1000000xf32, #tpu.memory_space<hbm>> -> memref<32x128xf32, #tpu.memory_space<hbm>>
      tpu.wait_dma2 semaphore(%arg48 : memref<!tpu.dma_semaphore, #tpu.memory_space<semaphore_mem>>) src(%dma_wait3A_430 : memref<32x128xf32, #tpu.memory_space<hbm>>) dst(%arg32 : memref<32x128xf32, #tpu.memory_space<vmem>>)
      %slice3A_431 = vector.extract_strided_slice %and3A_46 {offsets = [7], sizes = [1], strides = [1]} : vector<16xi32> to vector<1xi32>
      %squeeze3A_432 = vector.extract %slice3A_431[0] : i32 from vector<1xi32>
      %broadcast_in_dim3A_433 = vector.broadcast %squeeze3A_432 : i32 to vector<16xi32>
      %slice3A_434 = vector.extract_strided_slice %and3A_49 {offsets = [7], sizes = [1], strides = [1]} : vector<16xi32> to vector<1xi32>
      %squeeze3A_435 = vector.extract %slice3A_434[0] : i32 from vector<1xi32>
      %broadcast_in_dim3A_436 = vector.broadcast %squeeze3A_435 : i32 to vector<16xi32>
      %gather3A_437 = tpu.vector_load_idx %arg24[%iota3A, %broadcast_in_dim3A_433] : memref<32x128xf32, #tpu.memory_space<vmem>>[vector<16xi32>, vector<16xi32>], vector<16xf32>,
      %gather3A_438 = tpu.vector_load_idx %arg24[%add3A_8, %broadcast_in_dim3A_433] : memref<32x128xf32, #tpu.memory_space<vmem>>[vector<16xi32>, vector<16xi32>], vector<16xf32>,
      %gather3A_439 = tpu.vector_load_idx %arg32[%iota3A, %broadcast_in_dim3A_436] : memref<32x128xf32, #tpu.memory_space<vmem>>[vector<16xi32>, vector<16xi32>], vector<16xf32>,
      %gather3A_440 = tpu.vector_load_idx %arg32[%add3A_8, %broadcast_in_dim3A_436] : memref<32x128xf32, #tpu.memory_space<vmem>>[vector<16xi32>, vector<16xi32>], vector<16xf32>,
      %mul3A_441 = arith.mulf %gather3A_437, %gather3A_439 : vector<16xf32>
      %mul3A_442 = arith.mulf %gather3A_438, %gather3A_440 : vector<16xf32>
      %add3A_443 = arith.addf %mul3A_441, %mul3A_442 : vector<16xf32>
      %add3A_444 = arith.constant 7 : i32
      %add3A_445 = vector.broadcast %add3A_444 : i32 to vector<16xi32>
      %add3A_446 = arith.addi %mul3A_11, %add3A_445 : vector<16xi32>
      tpu.vector_store_idx %arg16[%add3A_446], %add3A_443 : memref<256xf32, #tpu.memory_space<vmem>>[vector<16xi32>], vector<16xf32>,
      %slice3A_447 = vector.extract_strided_slice %mul3A_38 {offsets = [15], sizes = [1], strides = [1]} : vector<16xi32> to vector<1xi32>
      %squeeze3A_448 = vector.extract %slice3A_447[0] : i32 from vector<1xi32>
      %multiple_of3A_449 = tpu.assume_multiple %squeeze3A_448, 128 : i32
      %slice3A_450 = vector.extract_strided_slice %mul3A_44 {offsets = [15], sizes = [1], strides = [1]} : vector<16xi32> to vector<1xi32>
      %squeeze3A_451 = vector.extract %slice3A_450[0] : i32 from vector<1xi32>
      %multiple_of3A_452 = tpu.assume_multiple %squeeze3A_451, 128 : i32
      %dma_start3A_453 = arith.constant 0 : i32
      %dma_start3A_454 = tpu.memref_slice %arg4[%dma_start3A_453, %multiple_of3A_449] : memref<32x1000000xf32, #tpu.memory_space<hbm>> -> memref<32x128xf32, #tpu.memory_space<hbm>>
      %dma_start3A_455 = arith.constant 0 : i32
      %dma_start3A_456 = tpu.memref_slice %arg4[%dma_start3A_455, %multiple_of3A_449] : memref<32x1000000xf32, #tpu.memory_space<hbm>> -> memref<32x128xf32, #tpu.memory_space<hbm>>
      tpu.enqueue_dma source(%dma_start3A_456 : memref<32x128xf32, #tpu.memory_space<hbm>>) target(%arg24 : memref<32x128xf32, #tpu.memory_space<vmem>>) target_semaphore(%arg40 : memref<!tpu.dma_semaphore, #tpu.memory_space<semaphore_mem>>)
      %dma_start3A_457 = arith.constant 0 : i32
      %dma_start3A_458 = tpu.memref_slice %arg5[%dma_start3A_457, %multiple_of3A_452] : memref<32x1000000xf32, #tpu.memory_space<hbm>> -> memref<32x128xf32, #tpu.memory_space<hbm>>
      %dma_start3A_459 = arith.constant 0 : i32
      %dma_start3A_460 = tpu.memref_slice %arg5[%dma_start3A_459, %multiple_of3A_452] : memref<32x1000000xf32, #tpu.memory_space<hbm>> -> memref<32x128xf32, #tpu.memory_space<hbm>>
      tpu.enqueue_dma source(%dma_start3A_460 : memref<32x128xf32, #tpu.memory_space<hbm>>) target(%arg32 : memref<32x128xf32, #tpu.memory_space<vmem>>) target_semaphore(%arg48 : memref<!tpu.dma_semaphore, #tpu.memory_space<semaphore_mem>>)
      %dma_wait3A_461 = arith.constant 0 : i32
      %dma_wait3A_462 = tpu.memref_slice %arg4[%dma_wait3A_461, %multiple_of3A_183] : memref<32x1000000xf32, #tpu.memory_space<hbm>> -> memref<32x128xf32, #tpu.memory_space<hbm>>
      %dma_wait3A_463 = arith.constant 0 : i32
      %dma_wait3A_464 = tpu.memref_slice %arg4[%dma_wait3A_463, %multiple_of3A_183] : memref<32x1000000xf32, #tpu.memory_space<hbm>> -> memref<32x128xf32, #tpu.memory_space<hbm>>
      tpu.wait_dma2 semaphore(%arg33 : memref<!tpu.dma_semaphore, #tpu.memory_space<semaphore_mem>>) src(%dma_wait3A_464 : memref<32x128xf32, #tpu.memory_space<hbm>>) dst(%arg17 : memref<32x128xf32, #tpu.memory_space<vmem>>)
      %dma_wait3A_465 = arith.constant 0 : i32
      %dma_wait3A_466 = tpu.memref_slice %arg5[%dma_wait3A_465, %multiple_of3A_186] : memref<32x1000000xf32, #tpu.memory_space<hbm>> -> memref<32x128xf32, #tpu.memory_space<hbm>>
      %dma_wait3A_467 = arith.constant 0 : i32
      %dma_wait3A_468 = tpu.memref_slice %arg5[%dma_wait3A_467, %multiple_of3A_186] : memref<32x1000000xf32, #tpu.memory_space<hbm>> -> memref<32x128xf32, #tpu.memory_space<hbm>>
      tpu.wait_dma2 semaphore(%arg41 : memref<!tpu.dma_semaphore, #tpu.memory_space<semaphore_mem>>) src(%dma_wait3A_468 : memref<32x128xf32, #tpu.memory_space<hbm>>) dst(%arg25 : memref<32x128xf32, #tpu.memory_space<vmem>>)
      %slice3A_469 = vector.extract_strided_slice %and3A_46 {offsets = [8], sizes = [1], strides = [1]} : vector<16xi32> to vector<1xi32>
      %squeeze3A_470 = vector.extract %slice3A_469[0] : i32 from vector<1xi32>
      %broadcast_in_dim3A_471 = vector.broadcast %squeeze3A_470 : i32 to vector<16xi32>
      %slice3A_472 = vector.extract_strided_slice %and3A_49 {offsets = [8], sizes = [1], strides = [1]} : vector<16xi32> to vector<1xi32>
      %squeeze3A_473 = vector.extract %slice3A_472[0] : i32 from vector<1xi32>
      %broadcast_in_dim3A_474 = vector.broadcast %squeeze3A_473 : i32 to vector<16xi32>
      %gather3A_475 = tpu.vector_load_idx %arg17[%iota3A, %broadcast_in_dim3A_471] : memref<32x128xf32, #tpu.memory_space<vmem>>[vector<16xi32>, vector<16xi32>], vector<16xf32>,
      %gather3A_476 = tpu.vector_load_idx %arg17[%add3A_8, %broadcast_in_dim3A_471] : memref<32x128xf32, #tpu.memory_space<vmem>>[vector<16xi32>, vector<16xi32>], vector<16xf32>,
      %gather3A_477 = tpu.vector_load_idx %arg25[%iota3A, %broadcast_in_dim3A_474] : memref<32x128xf32, #tpu.memory_space<vmem>>[vector<16xi32>, vector<16xi32>], vector<16xf32>,
      %gather3A_478 = tpu.vector_load_idx %arg25[%add3A_8, %broadcast_in_dim3A_474] : memref<32x128xf32, #tpu.memory_space<vmem>>[vector<16xi32>, vector<16xi32>], vector<16xf32>,
      %mul3A_479 = arith.mulf %gather3A_475, %gather3A_477 : vector<16xf32>
      %mul3A_480 = arith.mulf %gather3A_476, %gather3A_478 : vector<16xf32>
      %add3A_481 = arith.addf %mul3A_479, %mul3A_480 : vector<16xf32>
      %add3A_482 = arith.constant 8 : i32
      %add3A_483 = vector.broadcast %add3A_482 : i32 to vector<16xi32>
      %add3A_484 = arith.addi %mul3A_11, %add3A_483 : vector<16xi32>
      tpu.vector_store_idx %arg16[%add3A_484], %add3A_481 : memref<256xf32, #tpu.memory_space<vmem>>[vector<16xi32>], vector<16xf32>,
      %dma_wait3A_485 = arith.constant 0 : i32
      %dma_wait3A_486 = tpu.memref_slice %arg4[%dma_wait3A_485, %multiple_of3A_221] : memref<32x1000000xf32, #tpu.memory_space<hbm>> -> memref<32x128xf32, #tpu.memory_space<hbm>>
      %dma_wait3A_487 = arith.constant 0 : i32
      %dma_wait3A_488 = tpu.memref_slice %arg4[%dma_wait3A_487, %multiple_of3A_221] : memref<32x1000000xf32, #tpu.memory_space<hbm>> -> memref<32x128xf32, #tpu.memory_space<hbm>>
      tpu.wait_dma2 semaphore(%arg34 : memref<!tpu.dma_semaphore, #tpu.memory_space<semaphore_mem>>) src(%dma_wait3A_488 : memref<32x128xf32, #tpu.memory_space<hbm>>) dst(%arg18 : memref<32x128xf32, #tpu.memory_space<vmem>>)
      %dma_wait3A_489 = arith.constant 0 : i32
      %dma_wait3A_490 = tpu.memref_slice %arg5[%dma_wait3A_489, %multiple_of3A_224] : memref<32x1000000xf32, #tpu.memory_space<hbm>> -> memref<32x128xf32, #tpu.memory_space<hbm>>
      %dma_wait3A_491 = arith.constant 0 : i32
      %dma_wait3A_492 = tpu.memref_slice %arg5[%dma_wait3A_491, %multiple_of3A_224] : memref<32x1000000xf32, #tpu.memory_space<hbm>> -> memref<32x128xf32, #tpu.memory_space<hbm>>
      tpu.wait_dma2 semaphore(%arg42 : memref<!tpu.dma_semaphore, #tpu.memory_space<semaphore_mem>>) src(%dma_wait3A_492 : memref<32x128xf32, #tpu.memory_space<hbm>>) dst(%arg26 : memref<32x128xf32, #tpu.memory_space<vmem>>)
      %slice3A_493 = vector.extract_strided_slice %and3A_46 {offsets = [9], sizes = [1], strides = [1]} : vector<16xi32> to vector<1xi32>
      %squeeze3A_494 = vector.extract %slice3A_493[0] : i32 from vector<1xi32>
      %broadcast_in_dim3A_495 = vector.broadcast %squeeze3A_494 : i32 to vector<16xi32>
      %slice3A_496 = vector.extract_strided_slice %and3A_49 {offsets = [9], sizes = [1], strides = [1]} : vector<16xi32> to vector<1xi32>
      %squeeze3A_497 = vector.extract %slice3A_496[0] : i32 from vector<1xi32>
      %broadcast_in_dim3A_498 = vector.broadcast %squeeze3A_497 : i32 to vector<16xi32>
      %gather3A_499 = tpu.vector_load_idx %arg18[%iota3A, %broadcast_in_dim3A_495] : memref<32x128xf32, #tpu.memory_space<vmem>>[vector<16xi32>, vector<16xi32>], vector<16xf32>,
      %gather3A_500 = tpu.vector_load_idx %arg18[%add3A_8, %broadcast_in_dim3A_495] : memref<32x128xf32, #tpu.memory_space<vmem>>[vector<16xi32>, vector<16xi32>], vector<16xf32>,
      %gather3A_501 = tpu.vector_load_idx %arg26[%iota3A, %broadcast_in_dim3A_498] : memref<32x128xf32, #tpu.memory_space<vmem>>[vector<16xi32>, vector<16xi32>], vector<16xf32>,
      %gather3A_502 = tpu.vector_load_idx %arg26[%add3A_8, %broadcast_in_dim3A_498] : memref<32x128xf32, #tpu.memory_space<vmem>>[vector<16xi32>, vector<16xi32>], vector<16xf32>,
      %mul3A_503 = arith.mulf %gather3A_499, %gather3A_501 : vector<16xf32>
      %mul3A_504 = arith.mulf %gather3A_500, %gather3A_502 : vector<16xf32>
      %add3A_505 = arith.addf %mul3A_503, %mul3A_504 : vector<16xf32>
      %add3A_506 = arith.constant 9 : i32
      %add3A_507 = vector.broadcast %add3A_506 : i32 to vector<16xi32>
      %add3A_508 = arith.addi %mul3A_11, %add3A_507 : vector<16xi32>
      tpu.vector_store_idx %arg16[%add3A_508], %add3A_505 : memref<256xf32, #tpu.memory_space<vmem>>[vector<16xi32>], vector<16xf32>,
      %dma_wait3A_509 = arith.constant 0 : i32
      %dma_wait3A_510 = tpu.memref_slice %arg4[%dma_wait3A_509, %multiple_of3A_259] : memref<32x1000000xf32, #tpu.memory_space<hbm>> -> memref<32x128xf32, #tpu.memory_space<hbm>>
      %dma_wait3A_511 = arith.constant 0 : i32
      %dma_wait3A_512 = tpu.memref_slice %arg4[%dma_wait3A_511, %multiple_of3A_259] : memref<32x1000000xf32, #tpu.memory_space<hbm>> -> memref<32x128xf32, #tpu.memory_space<hbm>>
      tpu.wait_dma2 semaphore(%arg35 : memref<!tpu.dma_semaphore, #tpu.memory_space<semaphore_mem>>) src(%dma_wait3A_512 : memref<32x128xf32, #tpu.memory_space<hbm>>) dst(%arg19 : memref<32x128xf32, #tpu.memory_space<vmem>>)
      %dma_wait3A_513 = arith.constant 0 : i32
      %dma_wait3A_514 = tpu.memref_slice %arg5[%dma_wait3A_513, %multiple_of3A_262] : memref<32x1000000xf32, #tpu.memory_space<hbm>> -> memref<32x128xf32, #tpu.memory_space<hbm>>
      %dma_wait3A_515 = arith.constant 0 : i32
      %dma_wait3A_516 = tpu.memref_slice %arg5[%dma_wait3A_515, %multiple_of3A_262] : memref<32x1000000xf32, #tpu.memory_space<hbm>> -> memref<32x128xf32, #tpu.memory_space<hbm>>
      tpu.wait_dma2 semaphore(%arg43 : memref<!tpu.dma_semaphore, #tpu.memory_space<semaphore_mem>>) src(%dma_wait3A_516 : memref<32x128xf32, #tpu.memory_space<hbm>>) dst(%arg27 : memref<32x128xf32, #tpu.memory_space<vmem>>)
      %slice3A_517 = vector.extract_strided_slice %and3A_46 {offsets = [10], sizes = [1], strides = [1]} : vector<16xi32> to vector<1xi32>
      %squeeze3A_518 = vector.extract %slice3A_517[0] : i32 from vector<1xi32>
      %broadcast_in_dim3A_519 = vector.broadcast %squeeze3A_518 : i32 to vector<16xi32>
      %slice3A_520 = vector.extract_strided_slice %and3A_49 {offsets = [10], sizes = [1], strides = [1]} : vector<16xi32> to vector<1xi32>
      %squeeze3A_521 = vector.extract %slice3A_520[0] : i32 from vector<1xi32>
      %broadcast_in_dim3A_522 = vector.broadcast %squeeze3A_521 : i32 to vector<16xi32>
      %gather3A_523 = tpu.vector_load_idx %arg19[%iota3A, %broadcast_in_dim3A_519] : memref<32x128xf32, #tpu.memory_space<vmem>>[vector<16xi32>, vector<16xi32>], vector<16xf32>,
      %gather3A_524 = tpu.vector_load_idx %arg19[%add3A_8, %broadcast_in_dim3A_519] : memref<32x128xf32, #tpu.memory_space<vmem>>[vector<16xi32>, vector<16xi32>], vector<16xf32>,
      %gather3A_525 = tpu.vector_load_idx %arg27[%iota3A, %broadcast_in_dim3A_522] : memref<32x128xf32, #tpu.memory_space<vmem>>[vector<16xi32>, vector<16xi32>], vector<16xf32>,
      %gather3A_526 = tpu.vector_load_idx %arg27[%add3A_8, %broadcast_in_dim3A_522] : memref<32x128xf32, #tpu.memory_space<vmem>>[vector<16xi32>, vector<16xi32>], vector<16xf32>,
      %mul3A_527 = arith.mulf %gather3A_523, %gather3A_525 : vector<16xf32>
      %mul3A_528 = arith.mulf %gather3A_524, %gather3A_526 : vector<16xf32>
      %add3A_529 = arith.addf %mul3A_527, %mul3A_528 : vector<16xf32>
      %add3A_530 = arith.constant 10 : i32
      %add3A_531 = vector.broadcast %add3A_530 : i32 to vector<16xi32>
      %add3A_532 = arith.addi %mul3A_11, %add3A_531 : vector<16xi32>
      tpu.vector_store_idx %arg16[%add3A_532], %add3A_529 : memref<256xf32, #tpu.memory_space<vmem>>[vector<16xi32>], vector<16xf32>,
      %dma_wait3A_533 = arith.constant 0 : i32
      %dma_wait3A_534 = tpu.memref_slice %arg4[%dma_wait3A_533, %multiple_of3A_297] : memref<32x1000000xf32, #tpu.memory_space<hbm>> -> memref<32x128xf32, #tpu.memory_space<hbm>>
      %dma_wait3A_535 = arith.constant 0 : i32
      %dma_wait3A_536 = tpu.memref_slice %arg4[%dma_wait3A_535, %multiple_of3A_297] : memref<32x1000000xf32, #tpu.memory_space<hbm>> -> memref<32x128xf32, #tpu.memory_space<hbm>>
      tpu.wait_dma2 semaphore(%arg36 : memref<!tpu.dma_semaphore, #tpu.memory_space<semaphore_mem>>) src(%dma_wait3A_536 : memref<32x128xf32, #tpu.memory_space<hbm>>) dst(%arg20 : memref<32x128xf32, #tpu.memory_space<vmem>>)
      %dma_wait3A_537 = arith.constant 0 : i32
      %dma_wait3A_538 = tpu.memref_slice %arg5[%dma_wait3A_537, %multiple_of3A_300] : memref<32x1000000xf32, #tpu.memory_space<hbm>> -> memref<32x128xf32, #tpu.memory_space<hbm>>
      %dma_wait3A_539 = arith.constant 0 : i32
      %dma_wait3A_540 = tpu.memref_slice %arg5[%dma_wait3A_539, %multiple_of3A_300] : memref<32x1000000xf32, #tpu.memory_space<hbm>> -> memref<32x128xf32, #tpu.memory_space<hbm>>
      tpu.wait_dma2 semaphore(%arg44 : memref<!tpu.dma_semaphore, #tpu.memory_space<semaphore_mem>>) src(%dma_wait3A_540 : memref<32x128xf32, #tpu.memory_space<hbm>>) dst(%arg28 : memref<32x128xf32, #tpu.memory_space<vmem>>)
      %slice3A_541 = vector.extract_strided_slice %and3A_46 {offsets = [11], sizes = [1], strides = [1]} : vector<16xi32> to vector<1xi32>
      %squeeze3A_542 = vector.extract %slice3A_541[0] : i32 from vector<1xi32>
      %broadcast_in_dim3A_543 = vector.broadcast %squeeze3A_542 : i32 to vector<16xi32>
      %slice3A_544 = vector.extract_strided_slice %and3A_49 {offsets = [11], sizes = [1], strides = [1]} : vector<16xi32> to vector<1xi32>
      %squeeze3A_545 = vector.extract %slice3A_544[0] : i32 from vector<1xi32>
      %broadcast_in_dim3A_546 = vector.broadcast %squeeze3A_545 : i32 to vector<16xi32>
      %gather3A_547 = tpu.vector_load_idx %arg20[%iota3A, %broadcast_in_dim3A_543] : memref<32x128xf32, #tpu.memory_space<vmem>>[vector<16xi32>, vector<16xi32>], vector<16xf32>,
      %gather3A_548 = tpu.vector_load_idx %arg20[%add3A_8, %broadcast_in_dim3A_543] : memref<32x128xf32, #tpu.memory_space<vmem>>[vector<16xi32>, vector<16xi32>], vector<16xf32>,
      %gather3A_549 = tpu.vector_load_idx %arg28[%iota3A, %broadcast_in_dim3A_546] : memref<32x128xf32, #tpu.memory_space<vmem>>[vector<16xi32>, vector<16xi32>], vector<16xf32>,
      %gather3A_550 = tpu.vector_load_idx %arg28[%add3A_8, %broadcast_in_dim3A_546] : memref<32x128xf32, #tpu.memory_space<vmem>>[vector<16xi32>, vector<16xi32>], vector<16xf32>,
      %mul3A_551 = arith.mulf %gather3A_547, %gather3A_549 : vector<16xf32>
      %mul3A_552 = arith.mulf %gather3A_548, %gather3A_550 : vector<16xf32>
      %add3A_553 = arith.addf %mul3A_551, %mul3A_552 : vector<16xf32>
      %add3A_554 = arith.constant 11 : i32
      %add3A_555 = vector.broadcast %add3A_554 : i32 to vector<16xi32>
      %add3A_556 = arith.addi %mul3A_11, %add3A_555 : vector<16xi32>
      tpu.vector_store_idx %arg16[%add3A_556], %add3A_553 : memref<256xf32, #tpu.memory_space<vmem>>[vector<16xi32>], vector<16xf32>,
      %dma_wait3A_557 = arith.constant 0 : i32
      %dma_wait3A_558 = tpu.memref_slice %arg4[%dma_wait3A_557, %multiple_of3A_335] : memref<32x1000000xf32, #tpu.memory_space<hbm>> -> memref<32x128xf32, #tpu.memory_space<hbm>>
      %dma_wait3A_559 = arith.constant 0 : i32
      %dma_wait3A_560 = tpu.memref_slice %arg4[%dma_wait3A_559, %multiple_of3A_335] : memref<32x1000000xf32, #tpu.memory_space<hbm>> -> memref<32x128xf32, #tpu.memory_space<hbm>>
      tpu.wait_dma2 semaphore(%arg37 : memref<!tpu.dma_semaphore, #tpu.memory_space<semaphore_mem>>) src(%dma_wait3A_560 : memref<32x128xf32, #tpu.memory_space<hbm>>) dst(%arg21 : memref<32x128xf32, #tpu.memory_space<vmem>>)
      %dma_wait3A_561 = arith.constant 0 : i32
      %dma_wait3A_562 = tpu.memref_slice %arg5[%dma_wait3A_561, %multiple_of3A_338] : memref<32x1000000xf32, #tpu.memory_space<hbm>> -> memref<32x128xf32, #tpu.memory_space<hbm>>
      %dma_wait3A_563 = arith.constant 0 : i32
      %dma_wait3A_564 = tpu.memref_slice %arg5[%dma_wait3A_563, %multiple_of3A_338] : memref<32x1000000xf32, #tpu.memory_space<hbm>> -> memref<32x128xf32, #tpu.memory_space<hbm>>
      tpu.wait_dma2 semaphore(%arg45 : memref<!tpu.dma_semaphore, #tpu.memory_space<semaphore_mem>>) src(%dma_wait3A_564 : memref<32x128xf32, #tpu.memory_space<hbm>>) dst(%arg29 : memref<32x128xf32, #tpu.memory_space<vmem>>)
      %slice3A_565 = vector.extract_strided_slice %and3A_46 {offsets = [12], sizes = [1], strides = [1]} : vector<16xi32> to vector<1xi32>
      %squeeze3A_566 = vector.extract %slice3A_565[0] : i32 from vector<1xi32>
      %broadcast_in_dim3A_567 = vector.broadcast %squeeze3A_566 : i32 to vector<16xi32>
      %slice3A_568 = vector.extract_strided_slice %and3A_49 {offsets = [12], sizes = [1], strides = [1]} : vector<16xi32> to vector<1xi32>
      %squeeze3A_569 = vector.extract %slice3A_568[0] : i32 from vector<1xi32>
      %broadcast_in_dim3A_570 = vector.broadcast %squeeze3A_569 : i32 to vector<16xi32>
      %gather3A_571 = tpu.vector_load_idx %arg21[%iota3A, %broadcast_in_dim3A_567] : memref<32x128xf32, #tpu.memory_space<vmem>>[vector<16xi32>, vector<16xi32>], vector<16xf32>,
      %gather3A_572 = tpu.vector_load_idx %arg21[%add3A_8, %broadcast_in_dim3A_567] : memref<32x128xf32, #tpu.memory_space<vmem>>[vector<16xi32>, vector<16xi32>], vector<16xf32>,
      %gather3A_573 = tpu.vector_load_idx %arg29[%iota3A, %broadcast_in_dim3A_570] : memref<32x128xf32, #tpu.memory_space<vmem>>[vector<16xi32>, vector<16xi32>], vector<16xf32>,
      %gather3A_574 = tpu.vector_load_idx %arg29[%add3A_8, %broadcast_in_dim3A_570] : memref<32x128xf32, #tpu.memory_space<vmem>>[vector<16xi32>, vector<16xi32>], vector<16xf32>,
      %mul3A_575 = arith.mulf %gather3A_571, %gather3A_573 : vector<16xf32>
      %mul3A_576 = arith.mulf %gather3A_572, %gather3A_574 : vector<16xf32>
      %add3A_577 = arith.addf %mul3A_575, %mul3A_576 : vector<16xf32>
      %add3A_578 = arith.constant 12 : i32
      %add3A_579 = vector.broadcast %add3A_578 : i32 to vector<16xi32>
      %add3A_580 = arith.addi %mul3A_11, %add3A_579 : vector<16xi32>
      tpu.vector_store_idx %arg16[%add3A_580], %add3A_577 : memref<256xf32, #tpu.memory_space<vmem>>[vector<16xi32>], vector<16xf32>,
      %dma_wait3A_581 = arith.constant 0 : i32
      %dma_wait3A_582 = tpu.memref_slice %arg4[%dma_wait3A_581, %multiple_of3A_373] : memref<32x1000000xf32, #tpu.memory_space<hbm>> -> memref<32x128xf32, #tpu.memory_space<hbm>>
      %dma_wait3A_583 = arith.constant 0 : i32
      %dma_wait3A_584 = tpu.memref_slice %arg4[%dma_wait3A_583, %multiple_of3A_373] : memref<32x1000000xf32, #tpu.memory_space<hbm>> -> memref<32x128xf32, #tpu.memory_space<hbm>>
      tpu.wait_dma2 semaphore(%arg38 : memref<!tpu.dma_semaphore, #tpu.memory_space<semaphore_mem>>) src(%dma_wait3A_584 : memref<32x128xf32, #tpu.memory_space<hbm>>) dst(%arg22 : memref<32x128xf32, #tpu.memory_space<vmem>>)
      %dma_wait3A_585 = arith.constant 0 : i32
      %dma_wait3A_586 = tpu.memref_slice %arg5[%dma_wait3A_585, %multiple_of3A_376] : memref<32x1000000xf32, #tpu.memory_space<hbm>> -> memref<32x128xf32, #tpu.memory_space<hbm>>
      %dma_wait3A_587 = arith.constant 0 : i32
      %dma_wait3A_588 = tpu.memref_slice %arg5[%dma_wait3A_587, %multiple_of3A_376] : memref<32x1000000xf32, #tpu.memory_space<hbm>> -> memref<32x128xf32, #tpu.memory_space<hbm>>
      tpu.wait_dma2 semaphore(%arg46 : memref<!tpu.dma_semaphore, #tpu.memory_space<semaphore_mem>>) src(%dma_wait3A_588 : memref<32x128xf32, #tpu.memory_space<hbm>>) dst(%arg30 : memref<32x128xf32, #tpu.memory_space<vmem>>)
      %slice3A_589 = vector.extract_strided_slice %and3A_46 {offsets = [13], sizes = [1], strides = [1]} : vector<16xi32> to vector<1xi32>
      %squeeze3A_590 = vector.extract %slice3A_589[0] : i32 from vector<1xi32>
      %broadcast_in_dim3A_591 = vector.broadcast %squeeze3A_590 : i32 to vector<16xi32>
      %slice3A_592 = vector.extract_strided_slice %and3A_49 {offsets = [13], sizes = [1], strides = [1]} : vector<16xi32> to vector<1xi32>
      %squeeze3A_593 = vector.extract %slice3A_592[0] : i32 from vector<1xi32>
      %broadcast_in_dim3A_594 = vector.broadcast %squeeze3A_593 : i32 to vector<16xi32>
      %gather3A_595 = tpu.vector_load_idx %arg22[%iota3A, %broadcast_in_dim3A_591] : memref<32x128xf32, #tpu.memory_space<vmem>>[vector<16xi32>, vector<16xi32>], vector<16xf32>,
      %gather3A_596 = tpu.vector_load_idx %arg22[%add3A_8, %broadcast_in_dim3A_591] : memref<32x128xf32, #tpu.memory_space<vmem>>[vector<16xi32>, vector<16xi32>], vector<16xf32>,
      %gather3A_597 = tpu.vector_load_idx %arg30[%iota3A, %broadcast_in_dim3A_594] : memref<32x128xf32, #tpu.memory_space<vmem>>[vector<16xi32>, vector<16xi32>], vector<16xf32>,
      %gather3A_598 = tpu.vector_load_idx %arg30[%add3A_8, %broadcast_in_dim3A_594] : memref<32x128xf32, #tpu.memory_space<vmem>>[vector<16xi32>, vector<16xi32>], vector<16xf32>,
      %mul3A_599 = arith.mulf %gather3A_595, %gather3A_597 : vector<16xf32>
      %mul3A_600 = arith.mulf %gather3A_596, %gather3A_598 : vector<16xf32>
      %add3A_601 = arith.addf %mul3A_599, %mul3A_600 : vector<16xf32>
      %add3A_602 = arith.constant 13 : i32
      %add3A_603 = vector.broadcast %add3A_602 : i32 to vector<16xi32>
      %add3A_604 = arith.addi %mul3A_11, %add3A_603 : vector<16xi32>
      tpu.vector_store_idx %arg16[%add3A_604], %add3A_601 : memref<256xf32, #tpu.memory_space<vmem>>[vector<16xi32>], vector<16xf32>,
      %dma_wait3A_605 = arith.constant 0 : i32
      %dma_wait3A_606 = tpu.memref_slice %arg4[%dma_wait3A_605, %multiple_of3A_411] : memref<32x1000000xf32, #tpu.memory_space<hbm>> -> memref<32x128xf32, #tpu.memory_space<hbm>>
      %dma_wait3A_607 = arith.constant 0 : i32
      %dma_wait3A_608 = tpu.memref_slice %arg4[%dma_wait3A_607, %multiple_of3A_411] : memref<32x1000000xf32, #tpu.memory_space<hbm>> -> memref<32x128xf32, #tpu.memory_space<hbm>>
      tpu.wait_dma2 semaphore(%arg39 : memref<!tpu.dma_semaphore, #tpu.memory_space<semaphore_mem>>) src(%dma_wait3A_608 : memref<32x128xf32, #tpu.memory_space<hbm>>) dst(%arg23 : memref<32x128xf32, #tpu.memory_space<vmem>>)
      %dma_wait3A_609 = arith.constant 0 : i32
      %dma_wait3A_610 = tpu.memref_slice %arg5[%dma_wait3A_609, %multiple_of3A_414] : memref<32x1000000xf32, #tpu.memory_space<hbm>> -> memref<32x128xf32, #tpu.memory_space<hbm>>
      %dma_wait3A_611 = arith.constant 0 : i32
      %dma_wait3A_612 = tpu.memref_slice %arg5[%dma_wait3A_611, %multiple_of3A_414] : memref<32x1000000xf32, #tpu.memory_space<hbm>> -> memref<32x128xf32, #tpu.memory_space<hbm>>
      tpu.wait_dma2 semaphore(%arg47 : memref<!tpu.dma_semaphore, #tpu.memory_space<semaphore_mem>>) src(%dma_wait3A_612 : memref<32x128xf32, #tpu.memory_space<hbm>>) dst(%arg31 : memref<32x128xf32, #tpu.memory_space<vmem>>)
      %slice3A_613 = vector.extract_strided_slice %and3A_46 {offsets = [14], sizes = [1], strides = [1]} : vector<16xi32> to vector<1xi32>
      %squeeze3A_614 = vector.extract %slice3A_613[0] : i32 from vector<1xi32>
      %broadcast_in_dim3A_615 = vector.broadcast %squeeze3A_614 : i32 to vector<16xi32>
      %slice3A_616 = vector.extract_strided_slice %and3A_49 {offsets = [14], sizes = [1], strides = [1]} : vector<16xi32> to vector<1xi32>
      %squeeze3A_617 = vector.extract %slice3A_616[0] : i32 from vector<1xi32>
      %broadcast_in_dim3A_618 = vector.broadcast %squeeze3A_617 : i32 to vector<16xi32>
      %gather3A_619 = tpu.vector_load_idx %arg23[%iota3A, %broadcast_in_dim3A_615] : memref<32x128xf32, #tpu.memory_space<vmem>>[vector<16xi32>, vector<16xi32>], vector<16xf32>,
      %gather3A_620 = tpu.vector_load_idx %arg23[%add3A_8, %broadcast_in_dim3A_615] : memref<32x128xf32, #tpu.memory_space<vmem>>[vector<16xi32>, vector<16xi32>], vector<16xf32>,
      %gather3A_621 = tpu.vector_load_idx %arg31[%iota3A, %broadcast_in_dim3A_618] : memref<32x128xf32, #tpu.memory_space<vmem>>[vector<16xi32>, vector<16xi32>], vector<16xf32>,
      %gather3A_622 = tpu.vector_load_idx %arg31[%add3A_8, %broadcast_in_dim3A_618] : memref<32x128xf32, #tpu.memory_space<vmem>>[vector<16xi32>, vector<16xi32>], vector<16xf32>,
      %mul3A_623 = arith.mulf %gather3A_619, %gather3A_621 : vector<16xf32>
      %mul3A_624 = arith.mulf %gather3A_620, %gather3A_622 : vector<16xf32>
      %add3A_625 = arith.addf %mul3A_623, %mul3A_624 : vector<16xf32>
      %add3A_626 = arith.constant 14 : i32
      %add3A_627 = vector.broadcast %add3A_626 : i32 to vector<16xi32>
      %add3A_628 = arith.addi %mul3A_11, %add3A_627 : vector<16xi32>
      tpu.vector_store_idx %arg16[%add3A_628], %add3A_625 : memref<256xf32, #tpu.memory_space<vmem>>[vector<16xi32>], vector<16xf32>,
      %dma_wait3A_629 = arith.constant 0 : i32
      %dma_wait3A_630 = tpu.memref_slice %arg4[%dma_wait3A_629, %multiple_of3A_449] : memref<32x1000000xf32, #tpu.memory_space<hbm>> -> memref<32x128xf32, #tpu.memory_space<hbm>>
      %dma_wait3A_631 = arith.constant 0 : i32
      %dma_wait3A_632 = tpu.memref_slice %arg4[%dma_wait3A_631, %multiple_of3A_449] : memref<32x1000000xf32, #tpu.memory_space<hbm>> -> memref<32x128xf32, #tpu.memory_space<hbm>>
      tpu.wait_dma2 semaphore(%arg40 : memref<!tpu.dma_semaphore, #tpu.memory_space<semaphore_mem>>) src(%dma_wait3A_632 : memref<32x128xf32, #tpu.memory_space<hbm>>) dst(%arg24 : memref<32x128xf32, #tpu.memory_space<vmem>>)
      %dma_wait3A_633 = arith.constant 0 : i32
      %dma_wait3A_634 = tpu.memref_slice %arg5[%dma_wait3A_633, %multiple_of3A_452] : memref<32x1000000xf32, #tpu.memory_space<hbm>> -> memref<32x128xf32, #tpu.memory_space<hbm>>
      %dma_wait3A_635 = arith.constant 0 : i32
      %dma_wait3A_636 = tpu.memref_slice %arg5[%dma_wait3A_635, %multiple_of3A_452] : memref<32x1000000xf32, #tpu.memory_space<hbm>> -> memref<32x128xf32, #tpu.memory_space<hbm>>
      tpu.wait_dma2 semaphore(%arg48 : memref<!tpu.dma_semaphore, #tpu.memory_space<semaphore_mem>>) src(%dma_wait3A_636 : memref<32x128xf32, #tpu.memory_space<hbm>>) dst(%arg32 : memref<32x128xf32, #tpu.memory_space<vmem>>)
      %slice3A_637 = vector.extract_strided_slice %and3A_46 {offsets = [15], sizes = [1], strides = [1]} : vector<16xi32> to vector<1xi32>
      %squeeze3A_638 = vector.extract %slice3A_637[0] : i32 from vector<1xi32>
      %broadcast_in_dim3A_639 = vector.broadcast %squeeze3A_638 : i32 to vector<16xi32>
      %slice3A_640 = vector.extract_strided_slice %and3A_49 {offsets = [15], sizes = [1], strides = [1]} : vector<16xi32> to vector<1xi32>
      %squeeze3A_641 = vector.extract %slice3A_640[0] : i32 from vector<1xi32>
      %broadcast_in_dim3A_642 = vector.broadcast %squeeze3A_641 : i32 to vector<16xi32>
      %gather3A_643 = tpu.vector_load_idx %arg24[%iota3A, %broadcast_in_dim3A_639] : memref<32x128xf32, #tpu.memory_space<vmem>>[vector<16xi32>, vector<16xi32>], vector<16xf32>,
      %gather3A_644 = tpu.vector_load_idx %arg24[%add3A_8, %broadcast_in_dim3A_639] : memref<32x128xf32, #tpu.memory_space<vmem>>[vector<16xi32>, vector<16xi32>], vector<16xf32>,
      %gather3A_645 = tpu.vector_load_idx %arg32[%iota3A, %broadcast_in_dim3A_642] : memref<32x128xf32, #tpu.memory_space<vmem>>[vector<16xi32>, vector<16xi32>], vector<16xf32>,
      %gather3A_646 = tpu.vector_load_idx %arg32[%add3A_8, %broadcast_in_dim3A_642] : memref<32x128xf32, #tpu.memory_space<vmem>>[vector<16xi32>, vector<16xi32>], vector<16xf32>,
      %mul3A_647 = arith.mulf %gather3A_643, %gather3A_645 : vector<16xf32>
      %mul3A_648 = arith.mulf %gather3A_644, %gather3A_646 : vector<16xf32>
      %add3A_649 = arith.addf %mul3A_647, %mul3A_648 : vector<16xf32>
      %add3A_650 = arith.constant 15 : i32
      %add3A_651 = vector.broadcast %add3A_650 : i32 to vector<16xi32>
      %add3A_652 = arith.addi %mul3A_11, %add3A_651 : vector<16xi32>
      tpu.vector_store_idx %arg16[%add3A_652], %add3A_649 : memref<256xf32, #tpu.memory_space<vmem>>[vector<16xi32>], vector<16xf32>,
      %get3A_653 = arith.constant 0 : index
      %get3A_654 = tpu.vector_load %arg16[%get3A_653] {strides = array<i32>} : memref<256xf32, #tpu.memory_space<vmem>>, vector<16xf32>,
      %get3A_655 = arith.constant 16 : index
      %get3A_656 = tpu.vector_load %arg16[%get3A_655] {strides = array<i32>} : memref<256xf32, #tpu.memory_space<vmem>>, vector<16xf32>,
      %add3A_657 = arith.addf %get3A_654, %get3A_656 : vector<16xf32>
      %get3A_658 = arith.constant 32 : index
      %get3A_659 = tpu.vector_load %arg16[%get3A_658] {strides = array<i32>} : memref<256xf32, #tpu.memory_space<vmem>>, vector<16xf32>,
      %add3A_660 = arith.addf %add3A_657, %get3A_659 : vector<16xf32>
      %get3A_661 = arith.constant 48 : index
      %get3A_662 = tpu.vector_load %arg16[%get3A_661] {strides = array<i32>} : memref<256xf32, #tpu.memory_space<vmem>>, vector<16xf32>,
      %add3A_663 = arith.addf %add3A_660, %get3A_662 : vector<16xf32>
      %get3A_664 = arith.constant 64 : index
      %get3A_665 = tpu.vector_load %arg16[%get3A_664] {strides = array<i32>} : memref<256xf32, #tpu.memory_space<vmem>>, vector<16xf32>,
      %add3A_666 = arith.addf %add3A_663, %get3A_665 : vector<16xf32>
      %get3A_667 = arith.constant 80 : index
      %get3A_668 = tpu.vector_load %arg16[%get3A_667] {strides = array<i32>} : memref<256xf32, #tpu.memory_space<vmem>>, vector<16xf32>,
      %add3A_669 = arith.addf %add3A_666, %get3A_668 : vector<16xf32>
      %get3A_670 = arith.constant 96 : index
      %get3A_671 = tpu.vector_load %arg16[%get3A_670] {strides = array<i32>} : memref<256xf32, #tpu.memory_space<vmem>>, vector<16xf32>,
      %add3A_672 = arith.addf %add3A_669, %get3A_671 : vector<16xf32>
      %get3A_673 = arith.constant 112 : index
      %get3A_674 = tpu.vector_load %arg16[%get3A_673] {strides = array<i32>} : memref<256xf32, #tpu.memory_space<vmem>>, vector<16xf32>,
      %add3A_675 = arith.addf %add3A_672, %get3A_674 : vector<16xf32>
      %get3A_676 = arith.constant 128 : index
      %get3A_677 = tpu.vector_load %arg16[%get3A_676] {strides = array<i32>} : memref<256xf32, #tpu.memory_space<vmem>>, vector<16xf32>,
      %add3A_678 = arith.addf %add3A_675, %get3A_677 : vector<16xf32>
      %get3A_679 = arith.constant 144 : index
      %get3A_680 = tpu.vector_load %arg16[%get3A_679] {strides = array<i32>} : memref<256xf32, #tpu.memory_space<vmem>>, vector<16xf32>,
      %add3A_681 = arith.addf %add3A_678, %get3A_680 : vector<16xf32>
      %get3A_682 = arith.constant 160 : index
      %get3A_683 = tpu.vector_load %arg16[%get3A_682] {strides = array<i32>} : memref<256xf32, #tpu.memory_space<vmem>>, vector<16xf32>,
      %add3A_684 = arith.addf %add3A_681, %get3A_683 : vector<16xf32>
      %get3A_685 = arith.constant 176 : index
      %get3A_686 = tpu.vector_load %arg16[%get3A_685] {strides = array<i32>} : memref<256xf32, #tpu.memory_space<vmem>>, vector<16xf32>,
      %add3A_687 = arith.addf %add3A_684, %get3A_686 : vector<16xf32>
      %get3A_688 = arith.constant 192 : index
      %get3A_689 = tpu.vector_load %arg16[%get3A_688] {strides = array<i32>} : memref<256xf32, #tpu.memory_space<vmem>>, vector<16xf32>,
      %add3A_690 = arith.addf %add3A_687, %get3A_689 : vector<16xf32>
      %get3A_691 = arith.constant 208 : index
      %get3A_692 = tpu.vector_load %arg16[%get3A_691] {strides = array<i32>} : memref<256xf32, #tpu.memory_space<vmem>>, vector<16xf32>,
      %add3A_693 = arith.addf %add3A_690, %get3A_692 : vector<16xf32>
      %get3A_694 = arith.constant 224 : index
      %get3A_695 = tpu.vector_load %arg16[%get3A_694] {strides = array<i32>} : memref<256xf32, #tpu.memory_space<vmem>>, vector<16xf32>,
      %add3A_696 = arith.addf %add3A_693, %get3A_695 : vector<16xf32>
      %get3A_697 = arith.constant 240 : index
      %get3A_698 = tpu.vector_load %arg16[%get3A_697] {strides = array<i32>} : memref<256xf32, #tpu.memory_space<vmem>>, vector<16xf32>,
      %add3A_699 = arith.addf %add3A_696, %get3A_698 : vector<16xf32>
      %swap3A = arith.index_cast %mul3A_29 : i32 to index
      %swap3A_700 = tpu.vector_load %arg15[%swap3A] {strides = array<i32>} : memref<512xf32, #tpu.memory_space<vmem>>, vector<16xf32>,
      tpu.vector_store %arg15[%swap3A], %add3A_699 {strides = array<i32>} : memref<512xf32, #tpu.memory_space<vmem>>, vector<16xf32>,
    }
    %scan3A_16 = arith.constant 32 : i32
    %dma_wait3A = arith.constant 0 : i32
    %dma_wait3A_17 = tpu.memref_slice %arg6[%dma_wait3A] : memref<1000000xf32, #tpu.memory_space<hbm>> -> memref<1000000xf32, #tpu.memory_space<hbm>>
    tpu.wait_indirect_dma semaphore(%arg49 : memref<!tpu.dma_semaphore, #tpu.memory_space<semaphore_mem>>) src(%dma_wait3A_17 : memref<1000000xf32, #tpu.memory_space<hbm>>) dst(%arg12 : memref<512xf32, #tpu.memory_space<vmem>>)
    %dma_wait3A_18 = arith.constant 0 : i32
    %dma_wait3A_19 = tpu.memref_slice %arg7[%dma_wait3A_18] : memref<1000000xf32, #tpu.memory_space<hbm>> -> memref<1000000xf32, #tpu.memory_space<hbm>>
    tpu.wait_indirect_dma semaphore(%arg49 : memref<!tpu.dma_semaphore, #tpu.memory_space<semaphore_mem>>) src(%dma_wait3A_19 : memref<1000000xf32, #tpu.memory_space<hbm>>) dst(%arg13 : memref<512xf32, #tpu.memory_space<vmem>>)
    %get3A = arith.constant 0 : index
    %get3A_20 = tpu.vector_load %arg14[%get3A] {strides = array<i32>} : memref<16xf32, #tpu.memory_space<vmem>>, vector<16xf32>,
    %scan3A_21 = arith.constant 0 : i32
    %scan3A_22 = arith.constant 0 : i32
    %scan3A_23 = arith.constant 32 : i32
    %scan3A_24 = arith.addi %scan3A_22, %scan3A_23 : i32
    %scan3A_25 = arith.constant 1 : i32
    scf.for %scan3A_27 = %scan3A_22 to %scan3A_24 step %scan3A_25  : i32 {
      %mul3A_28 = arith.constant 16 : i32
      %mul3A_29 = arith.muli %scan3A_27, %mul3A_28 : i32
      %get3A_30 = arith.index_cast %mul3A_29 : i32 to index
      %get3A_31 = tpu.vector_load %arg15[%get3A_30] {strides = array<i32>} : memref<512xf32, #tpu.memory_space<vmem>>, vector<16xf32>,
      %get3A_32 = arith.index_cast %mul3A_29 : i32 to index
      %get3A_33 = tpu.vector_load %arg12[%get3A_32] {strides = array<i32>} : memref<512xf32, #tpu.memory_space<vmem>>, vector<16xf32>,
      %add3A_34 = arith.addf %get3A_31, %get3A_33 : vector<16xf32>
      %get3A_35 = arith.index_cast %mul3A_29 : i32 to index
      %get3A_36 = tpu.vector_load %arg13[%get3A_35] {strides = array<i32>} : memref<512xf32, #tpu.memory_space<vmem>>, vector<16xf32>,
      %add3A_37 = arith.addf %add3A_34, %get3A_36 : vector<16xf32>
      %add3A_38 = arith.addf %add3A_37, %get3A_20 : vector<16xf32>
      %swap3A = arith.index_cast %mul3A_29 : i32 to index
      %swap3A_39 = tpu.vector_load %arg15[%swap3A] {strides = array<i32>} : memref<512xf32, #tpu.memory_space<vmem>>, vector<16xf32>,
      tpu.vector_store %arg15[%swap3A], %add3A_38 {strides = array<i32>} : memref<512xf32, #tpu.memory_space<vmem>>, vector<16xf32>,
    }
    %scan3A_26 = arith.constant 32 : i32
    "tpu.region"() ({
      %run_scoped3A = tpu.sem_alloc : memref<!tpu.dma_semaphore, #tpu.memory_space<semaphore_mem>>
      %dma_start3A_27 = tpu.memref_slice %arg9[%mul3A_2] : memref<16384xf32, #tpu.memory_space<hbm>> -> memref<512xf32, #tpu.memory_space<hbm>>
      %dma_start3A_28 = tpu.memref_slice %arg9[%mul3A_2] : memref<16384xf32, #tpu.memory_space<hbm>> -> memref<512xf32, #tpu.memory_space<hbm>>
      tpu.enqueue_dma source(%arg15 : memref<512xf32, #tpu.memory_space<vmem>>) target(%dma_start3A_28 : memref<512xf32, #tpu.memory_space<hbm>>) target_semaphore(%run_scoped3A : memref<!tpu.dma_semaphore, #tpu.memory_space<semaphore_mem>>)
      %dma_wait3A_29 = tpu.memref_slice %arg9[%mul3A_2] : memref<16384xf32, #tpu.memory_space<hbm>> -> memref<512xf32, #tpu.memory_space<hbm>>
      %dma_wait3A_30 = tpu.memref_slice %arg9[%mul3A_2] : memref<16384xf32, #tpu.memory_space<hbm>> -> memref<512xf32, #tpu.memory_space<hbm>>
      tpu.wait_dma2 semaphore(%run_scoped3A : memref<!tpu.dma_semaphore, #tpu.memory_space<semaphore_mem>>) src(%arg15 : memref<512xf32, #tpu.memory_space<vmem>>) dst(%dma_wait3A_30 : memref<512xf32, #tpu.memory_space<hbm>>)
      tpu.yield
    }) : () -> ()
    return
  }
}

</mosaic_0001>

<sc_bundles>
// kernel: kernel.3.cloned.1.call-start
scs
__scs_entry_jumppad:
0x0: {  	(pc) =	sbr.rel $0x88, $3  }
0x1: {  	(tag) =	ssettag $0x0;
	lr =	simm.s32 $0x1  }
0x2: {  	[smem:$0x3F9A] =	sst lr;
	_ =	strace $0xD0000000  }
0x3: {  	_ = 	snop  }
0x4: {  	_ = 	snop  }
0x5: {  	_ = 	snop  }
0x6: {  	_ = 	snop  }
0x7: {  	_ = 	snop  }
__scs_overlays_trampoline_lowered:
0x8: {  	[smem:$0x3FA9] =	sst s0  }
0x9: {  	[smem:$0x3FAA] =	sst s1  }
0xa: {  	[smem:$0x3FAB] =	sst s2  }
0xb: {  	[smem:$0x3FAC] =	sst s3  }
0xc: {  	[smem:$0x3FAD] =	sst s4  }
0xd: {  	[smem:$0x3FAE] =	sst s5  }
0xe: {  	[smem:$0x3FAF] =	sst s6  }
0xf: {  	[smem:$0x3FB0] =	sst s7  }
0x10: {  	[smem:$0x3FB1] =	sst s8  }
0x11: {  	[smem:$0x3FB2] =	sst s9;
	s0 =	simm.s32 @!p0 $0x0  }
0x12: {  	s1 =	sld [smem:$0x3F98];
	s0 =	simm.s32 @p0 $0x1  }
0x13: {  	[smem:$0x3FB3] =	sst s0;
	s0 =	simm.s32 @!p1 $0x0  }
0x14: {  	s2 =	sld [smem:$0x3F97];
	s0 =	simm.s32 @p1 $0x1  }
0x15: {  	[smem:$0x3FB4] =	sst s0;
	s0 =	simm.s32 @!p2 $0x0  }
0x16: {  	s3 =	sld [smem:$0x3FDB];
	s0 =	simm.s32 @p2 $0x1  }
0x17: {  	s4 =	simm.s32 $0x1BF5;
	[smem:$0x3FB6] =	sst s0  }
0x18: {  	s0 =	sld [smem:$0x3F99];
	_ =	swait.ge [sflag:s4], $0x0  }
0x19: {  	s7 =	sld [smem:$0x3F9A]  }
0x1a: {  	s8 =	sadd.s32 $0xFFFFE003, lr  }
0x1b: {  	s9 =	sadd.s32 $0xFFFFFEF7, lr;
	s5 =	simm.s32 $0xFFFFFFFF;
	p2 =	slt.u32 s8, $0xFFFFF086  }
0x1c: {  	p1 =	slt.u32 s9, $0xF7A;
	s5 =	simm.s32 @!p2 $0x0  }
0x1d: {  	s5 =	simm.s32 @p1 $0x1;
	p0 =	seq.s32 s7, s2  }
0x1e: {  	s7 =	smul.u32 @!p0 $0xF7A, s2;
	p2 =	seq.s32 @!p0 s5, $0x0  }
0x1f: {  	s9 =	smul.u32 $0xF7A, s1;
	s8 =	simm.s32 @!p0 $0x1BF5;
	p2 =	por !p2, p0  }
0x20: {  	[sflag:s8] =	ssyncset.s32 @!p0 $0xFFFFF086;
	s6 =	sadd.s32 @!p0 s3, s7;
	s7 =	simm.s32 @!p0 $0x108  }
0x21: {  	s3 =	sadd.s32 s3, s9;
	s6 =	sadd.s32 @!p0 $0x88, s6;
	s7 =	simm.s32 @p2 $0x1082  }
0x22: {  	[simem:s7], [sflag:s8] =	dma.local @!p0 [hbm:s6], $0xF7A  }
0x23: {  	s9 =	sor.u32 $0xD0000000, s2;
	s6 =	simm.s32 $0x108;
	_ =	swait.ge @!p0 [sflag:s8], $0x0  }
0x24: {  	s3 =	sadd.s32 $0x88, s3;
	s6 =	simm.s32 @!p1 $0x1082;
	[sflag:s4] =	ssyncset.s32 $0xFFFFF086  }
0x25: {  	[simem:s6], [sflag:s4] =	dma.local [hbm:s3], $0xF7A  }
0x26: {  	[smem:$0x3F9A] =	sst s1;
	(tag) =	ssettag s2;
	_ =	strace s9  }
0x27: {  	s1 =	sld [smem:$0x3FAA]  }
0x28: {  	s2 =	sld [smem:$0x3FAB]  }
0x29: {  	s4 =	sld [smem:$0x3FAD]  }
0x2a: {  	p0 =	seq.s32 s5, $0x0;
	s5 =	sld [smem:$0x3FAE]  }
0x2b: {  	s6 =	sld [smem:$0x3FAF]  }
0x2c: {  	s7 =	sld [smem:$0x3FB0]  }
0x2d: {  	s3 =	simm.s32 $0x108;
	s8 =	sld [smem:$0x3FB1]  }
0x2e: {  	s3 =	simm.s32 @!p0 $0x1082;
	s9 =	sld [smem:$0x3FB2]  }
0x2f: {  	lr =	sadd.s32 s0, s3;
	s0 =	sld [smem:$0x3FA9]  }
0x30: {  	s3 =	sld [smem:$0x3FAC]  }
0x31: {  	[smem:$0x3FB5] =	sst s10  }
0x32: {  	s10 =	sld [smem:$0x3FB3];
	_ =	sdelay $0x3  }
0x33: {  	p0 =	seq.s32 s10, $0x1;
	s10 =	sld [smem:$0x3FB5];
	_ =	sdelay $0x3  }
0x34: {  	[smem:$0x3FB5] =	sst s10  }
0x35: {  	s10 =	sld [smem:$0x3FB4];
	_ =	sdelay $0x3  }
0x36: {  	p1 =	seq.s32 s10, $0x1;
	s10 =	sld [smem:$0x3FB5];
	_ =	sdelay $0x3  }
0x37: {  	[smem:$0x3FB5] =	sst s10  }
0x38: {  	s10 =	sld [smem:$0x3FB6]  }
0x39: {  	_ = 	snop;
	(pc) =	sbr.ind lr, $3  }
0x3a: {  	_ = 	snop  }
0x3b: {  	_ = 	snop  }
0x3c: {  	p2 =	seq.s32 s10, $0x1;
	s10 =	sld [smem:$0x3FB5]  }
0x3d: {  	_ =	shalt  }
0x3e: {  	_ =	shalt  }
0x3f: {  	_ =	shalt  }
0x40: {  	_ =	shalt  }
0x41: {  	_ =	shalt  }
0x42: {  	_ =	shalt  }
0x43: {  	_ =	shalt  }
0x44: {  	_ =	shalt  }
0x45: {  	_ =	shalt  }
0x46: {  	_ =	shalt  }
0x47: {  	_ =	shalt  }
0x48: {  	_ =	shalt  }
0x49: {  	_ =	shalt  }
0x4a: {  	_ =	shalt  }
0x4b: {  	_ =	shalt  }
0x4c: {  	_ =	shalt  }
0x4d: {  	_ =	shalt  }
0x4e: {  	_ =	shalt  }
0x4f: {  	_ =	shalt  }
0x50: {  	_ =	shalt  }
0x51: {  	_ =	shalt  }
0x52: {  	_ =	shalt  }
0x53: {  	_ =	shalt  }
0x54: {  	_ =	shalt  }
0x55: {  	_ =	shalt  }
0x56: {  	_ =	shalt  }
0x57: {  	_ =	shalt  }
0x58: {  	_ =	shalt  }
0x59: {  	_ =	shalt  }
0x5a: {  	_ =	shalt  }
0x5b: {  	_ =	shalt  }
0x5c: {  	_ =	shalt  }
0x5d: {  	_ =	shalt  }
0x5e: {  	_ =	shalt  }
0x5f: {  	_ =	shalt  }
0x60: {  	_ =	shalt  }
0x61: {  	_ =	shalt  }
0x62: {  	_ =	shalt  }
0x63: {  	_ =	shalt  }
0x64: {  	_ =	shalt  }
0x65: {  	_ =	shalt  }
0x66: {  	_ =	shalt  }
0x67: {  	_ =	shalt  }
0x68: {  	_ =	shalt  }
0x69: {  	_ =	shalt  }
0x6a: {  	_ =	shalt  }
0x6b: {  	_ =	shalt  }
0x6c: {  	_ =	shalt  }
0x6d: {  	_ =	shalt  }
0x6e: {  	_ =	shalt  }
0x6f: {  	_ =	shalt  }
0x70: {  	_ =	shalt  }
0x71: {  	_ =	shalt  }
0x72: {  	_ =	shalt  }
0x73: {  	_ =	shalt  }
0x74: {  	_ =	shalt  }
0x75: {  	_ =	shalt  }
0x76: {  	_ =	shalt  }
0x77: {  	_ =	shalt  }
0x78: {  	_ =	shalt  }
0x79: {  	_ =	shalt  }
0x7a: {  	_ =	shalt  }
0x7b: {  	_ =	shalt  }
0x7c: {  	_ =	shalt  }
0x7d: {  	_ =	shalt  }
0x7e: {  	_ =	shalt  }
0x7f: {  	_ =	shalt  }
0x80: {  	_ =	shalt  }
0x81: {  	_ =	shalt  }
0x82: {  	_ =	shalt  }
0x83: {  	_ =	shalt  }
0x84: {  	_ =	shalt  }
0x85: {  	_ =	shalt  }
0x86: {  	_ =	shalt  }
0x87: {  	_ =	shalt  }
.Lfunc_end0:
.L_simem_size_0:
called_computation_lowered:
.L_overlay_start_0:
0x88: {  	s2 =	sld [smem:$0x3FD9]  }
0x89: {  	s3 =	sld [smem:$0x3FFE];
	_ =	sdelay $0x1  }
0x8a: {  	s1 =	srdreg.scid  }
0x8b: {  	s0 =	sand.u32 $0x1, s1  }
0x8c: {  	s17 =	sshll.u32 s0, $0xA;
	s2 =	sadd.s32 s3, s2  }
0x8d: {  	s2 =	sadd.s32 s2, s17  }
0x8e: {  	[smem:$0x3FC1] =	sst s2  }
0x8f: {  	_ = 	snop  }
0x90: {  	s2 =	sld [smem:$0x3FC9]  }
0x91: {  	s18 =	sld [smem:$0x3FC8]  }
0x92: {  	s4 =	sld [smem:$0x3FC7]  }
0x93: {  	s5 =	sld [smem:$0x3FC6]  }
0x94: {  	s6 =	sld [smem:$0x3FD0];
	(tm) =	ssettm $0x1  }
0x95: {  	s7 =	sld [smem:$0x3FFB];
	_ =	sdelay $0x3  }
0x96: {  	_ =	strace s7  }
0x97: {  	s7 =	sld [smem:$0x3FFC];
	_ =	sdelay $0x3  }
0x98: {  	_ =	strace s7  }
0x99: {  	s7 =	sld [smem:$0x3FFD];
	_ =	sdelay $0x3  }
0x9a: {  	_ =	strace s7  }
0x9b: {  	_ =	strace $0x8FFFFFFF  }
0x9c: {  	s19 =	sld [smem:$0x3FDB];
	_ =	sdelay $0x1  }
0x9d: {  	s8 =	simm.s32 $_scs_section_size  }
0x9e: {  	s9 =	simm.s32 $_size__tile_overlayer_lowered;
	s10 =	simm.s32 $_tile_overlayer_lowered  }
0x9f: {  	s22 =	simm.s32 $0x1BFF;
	s21 =	sshll.u32 s10, $0x1;
	s7 =	sadd.s32 s8, s19  }
0xa0: {  	s11 =	simm.s32 $0x0;
	s20 =	sshll.u32 s9, $0x1;
	s9 =	sadd.s32 s21, s7  }
0xa1: {  	[timem:s11], [sflag:s22] =	dma.local [hbm:s9], s20  }
0xa2: {  	_ =	swait.ge [sflag:s22], s20  }
0xa3: {  	s8 =	ssub.s32 $0x0, s20;
	[sflag:s22] =	ssyncset.done $0x0  }
0xa4: {  	[sflag:s22] =	ssyncadd.s32 s8;
	_ =	sdelay $0x1  }
0xa5: {  	s23 =	simm.s32 $0x1B8B  }
0xa6: {  	_ =	swait.ge [sflag:s23], $0x1  }
0xa7: {  	[sflag:s23] =	ssyncset.done $0x0  }
0xa8: {  	s25 =	simm.s32 $0x1B8E;
	s24 =	sld [smem:$0x3FFE];
	[sflag:s23] =	ssyncadd.s32 $0xFFFFFFFF  }
0xa9: {  	s26 =	simm.s32 $execute0_lowered;
	[smem:$0x3FD2] =	sst s25  }
0xaa: {  	s9 =	sshll.u32 s26, $0x1;
	_ =	strace $0x80000046;
	[dreg:$0x1] =	wrdreg $0xFFFFFFFF  }
0xab: {  	s28 =	simm.s32 $_size_execute0_lowered;
	s7 =	sadd.s32 s7, s9;
	[dreg:$0x0] =	wrdreg $0x0  }
0xac: {  	s9 =	sshll.u32 s28, $0x1;
	[dreg:$0x2] =	wrdreg s7  }
0xad: {  	[dreg:$0x3] =	wrdreg s9  }
0xae: {  	[dreg:$0x4] =	wrdreg $0xC0  }
0xaf: {  	_ =	task [dreg:s11], $0x5FFFF  }
0xb0: {  	[dreg:$0x1] =	wrdreg $0xFFFFFFFF  }
0xb1: {  	[dreg:$0x0] =	wrdreg $0x60  }
0xb2: {  	[dreg:$0x2] =	wrdreg s2  }
0xb3: {  	[dreg:$0x3] =	wrdreg s18  }
0xb4: {  	[dreg:$0x4] =	wrdreg s4  }
0xb5: {  	[dreg:$0x5] =	wrdreg s5  }
0xb6: {  	[dreg:$0x6] =	wrdreg s24  }
0xb7: {  	[dreg:$0x7] =	wrdreg s6  }
0xb8: {  	[dreg:$0x8] =	wrdreg $0x9  }
0xb9: {  	_ =	task.clear_ibuf [dreg:s11], $0x9FFFF;
	_ =	strace $0x90000046  }
0xba: {  	s29 =	simm.s32 $0x9;
	_ =	strace $0x80000048  }
0xbb: {  	_ =	swait.ge [sflag:s29], $0x1  }
0xbc: {  	[sflag:s29] =	ssyncadd.s32 $0xFFFFFFFF  }
0xbd: {  	_ =	strace $0x90000048  }
0xbe: {  	_ =	sfence  }
0xbf: {  	s30 =	sld [smem:$0x0];
	_ =	sdelay $0x2  }
0xc0: {  	s31 =	sshll.u32 s1, $0xD;
	s1 =	sshrl.u32 s1, $0x2  }
0xc1: {  	s3 =	sand.u32 $0x4000, s31;
	s1 =	sadd.s32 s1, s30  }
0xc2: {  	s0 =	sor.u32 s3, s0;
	s1 =	sshll.u32 s1, $0x11  }
0xc3: {  	s0 =	sor.u32 s1, s0  }
0xc4: {  	s0 =	sadd.s32 $0x8F2B, s0  }
0xc5: {  	[sflag:s0] =	ssyncadd.remote.s32 $0x1  }
0xc6: {  	_ =	sfence.sel $0xFFFF  }
0xc7: {  	[dreg:$0x0] =	wrdreg $0xFFFFFFFF;
	(pc) =	sbr.abs _section_cstart, $3  }
0xc8: {  	[dreg:$0x1] =	wrdreg $0xFFFFFFFF  }
0xc9: {  	_ =	task.clear_ibuf [dreg:s11], $0x2FFFF;
	_ =	strace $0x9FFFFFFF  }
0xca: {  	(tm) =	ssettm $0x7FFFFFFF  }
0xcb: {  	_ =	shalt  }
tec
execute0_lowered:
.L_overlay_start_1:
0x0: {  	(tag) =	ssettag $0x1  }
0x1: {  	s0 =	rddreg [dreg:$0x0]  }
0x2: {  	s1 =	rddreg [dreg:$0x1]  }
0x3: {  	s2 =	rddreg [dreg:$0x2]  }
0x4: {  	s19 =	rddreg [dreg:$0x3]  }
0x5: {  	s7 =	rddreg [dreg:$0x4]  }
0x6: {  	s20 =	rddreg [dreg:$0x5];
	s21 =	simm.s32 $0x0  }
0x7: {  	s3 =	srdreg.scid;
	s5 =	stileid.u32;
	s13 =	simm.s32 $0x400  }
0x8: {  	s15 =	simm.s32 $0x7A1400;
	s8 =	simm.s32 $0xA80;
	s12 =	simm.s32 $0x1B80  }
0x9: {  	s28 =	simm.s32 $0x3;
	s29 =	simm.s32 $0xB;
	s30 =	simm.s32 $0x4  }
0xa: {  	s31 =	simm.s32 $0xC;
	s14 =	simm.s32 $0x6;
	[dreg:$0x7] =	wrdreg s2  }
0xb: {  	s18 =	simm.s32 $0xE;
	s16 =	simm.s32 $0x7;
	[dreg:$0x8] =	wrdreg s19  }
0xc: {  	s17 =	simm.s32 $0xF;
	s11 =	simm.s32 $0x10;
	[smem:$0x7FF] =	sst s21  }
0xd: {  	s3 =	sand.u32 $0x1, s3;
	s5 =	sshll.u32 s5, $0x7;
	s6 =	sadd.s32 $0x1EA00, s7  }
0xe: {  	s23 =	sadd.s32 $0x3D400, s7;
	s2 =	simm.s32 $0x8B80;
	s7 =	simm.s32 $0xBB80  }
0xf: {  	v1 =	vlaneseq.u32;
	s19 =	simm.s32 $0x1;
	_ =	strace $0x80000047;
	[dreg:$0x9] =	wrdreg s6  }
0x10: {  	v0 =	vmul.u32 $0x80, v1;
	s4 =	ssub.s32 $0x2, s3;
	s3 =	sshll.u32 s3, $0x6;
	[dreg:$0xa] =	wrdreg s23  }
0x11: {  	v1 =	vmul.u32 $0x10, v1;
	s6 =	simm.s32 $0x3B80;
	s22 =	sshrl.u32 s4, $0x1;
	s3 =	sor.u32 s3, s5  }
0x12: {  	v2 =	vor.u32 $0x800, v0;
	s5 =	simm.s32 $0xAB80;
	s4 =	ssub.s32 s4, s22;
	s0 =	sadd.s32 s0, s3  }
0x13: {  	v3 =	vor.u32 $0x1, v1;
	v4 =	vor.u32 $0x2, v1;
	v5 =	vor.u32 $0x3, v1;
	s24 =	sadd.s32 s1, s3;
	s25 =	sadd.s32 s20, s3;
	[dreg:$0xb] =	wrdreg s0  }
0x14: {  	v6 =	vor.u32 $0x4, v1;
	v7 =	vor.u32 $0x5, v1;
	v8 =	vor.u32 $0x6, v1;
	s22 =	simm.s32 $0x12;
	s3 =	simm.s32 $0x9B80;
	[dreg:$0xc] =	wrdreg s24  }
0x15: {  	v9 =	vor.u32 $0x7, v1;
	v10 =	vor.u32 $0x8, v1;
	v11 =	vor.u32 $0x9, v1;
	s1 =	simm.s32 $0xD;
	[dreg:$0xd] =	wrdreg s25;
	s26 =	smax.u32 s4, $0x1  }
0x16: {  	v12 =	vor.u32 $0xA, v1;
	v13 =	vor.u32 $0xB, v1;
	v14 =	vor.u32 $0xC, v1;
	s0 =	simm.s32 $0x0;
	s4 =	simm.s32 $0x2B80;
	s24 =	simm.s32 $0x9  }
0x17: {  	v15 =	vor.u32 $0xD, v1;
	v16 =	vor.u32 $0xE, v1;
	v17 =	vor.u32 $0xF, v1;
	s25 =	simm.s32 $0x2;
	[dreg:$0xe] =	wrdreg s26;
	s26 =	simm.s32 $0xA  }
.LBB2_1:
0x18: {  	[dreg:$0xf] =	wrdreg s0  }
0x19: {  	s20 =	rddreg [dreg:$0xb]  }
0x1a: {  	[tilespmem:s21], [sflag:$0x12] =	stream.linear.gather [hbm4b:s20+s21], $0x200, $0x38;
	[tilespmem:$0x10B80] =	vst v63  }
0x1b: {  	_ =	swait.ge [sflag:s22], $0x200  }
0x1c: {  	[sflag:s22] =	ssyncset.done $0x0  }
0x1d: {  	s0 =	simm.s32 $0x200;
	s23 =	rddreg [dreg:$0xc];
	[sflag:s22] =	ssyncadd.s32 $0xFFFFFE00  }
0x1e: {  	[tilespmem:s0], [sflag:$0x12] =	stream.linear.gather [hbm4b:s23+s21], $0x200, $0x38;
	[tilespmem:$0x10B80] =	vst v63  }
0x1f: {  	_ =	swait.ge [sflag:s22], $0x200  }
0x20: {  	[sflag:s22] =	ssyncset.done $0x0  }
0x21: {  	s23 =	simm.s32 $0x800;
	s9 =	rddreg [dreg:$0xa];
	[sflag:s22] =	ssyncadd.s32 $0xFFFFFE00  }
0x22: {  	[tilespmem:s23], [sflag:$0x12] =	stream.linear.gather [hbm4b:s9+s21], $0x80, $0x38;
	[tilespmem:$0x10B80] =	vst v63  }
0x23: {  	_ =	swait.ge [sflag:s22], $0x80  }
0x24: {  	[sflag:s22] =	ssyncset.done $0x0  }
0x25: {  	[sflag:s22] =	ssyncadd.s32 $0xFFFFFF80  }
0x26: {  	s10 =	rddreg [dreg:$0x4]  }
0x27: {  	[tilespmem:s13], [sflag:$0x11] =	stream.indirect.gather [hbm4b:s10+s0], $0x1, s21, s0, $0xb8;
	[tilespmem:$0x10B80] =	vst v63  }
0x28: {  	s20 =	simm.s32 $0x0;
	s23 =	simm.s32 $0x600;
	s22 =	rddreg [dreg:$0x9]  }
0x29: {  	[tilespmem:s23], [sflag:$0x11] =	stream.indirect.gather [hbm4b:s22+s0], $0x1, s0, s0, $0xb8;
	[tilespmem:$0x10B80] =	vst v63  }
.LBB2_2:
0x2a: {  	s0 =	sshra.s32 s20, $0x2  }
0x2b: {  	v18 =	vld [tilespmem:s0+$0x0];
	_ =	sdelay $0x1  }
0x2c: {  	v19 =	vld [tilespmem:s0+$0x200];
	_ =	sdelay $0x2  }
0x2d: {  	s22 =	rddreg [dreg:$0x7];
	v20 =	vand.u32 $0xFFFFFF80, v18  }
0x2e: {  	v21 =	vadd.s32 s22, v20  }
0x2f: {  	s23 =	rddreg [dreg:$0x8];
	v32 =	vand.u32 $0xFFFFFF80, v19;
	(v2sf) =	vpush v21, $0x0  }
0x30: {  	v20 =	vadd.s32 s23, v32  }
0x31: {  	(v2sf) =	vpush v20, $0x0;
	_ =	sdelay $0x1  }
0x32: {  	(v2sf) =	vpush v21, $0x1;
	_ =	sdelay $0x1  }
0x33: {  	(v2sf) =	vpush v20, $0x1;
	_ =	sdelay $0x1  }
0x34: {  	(v2sf) =	vpush v21, $0x2;
	_ =	sdelay $0x1  }
0x35: {  	(v2sf) =	vpush v20, $0x2;
	_ =	sdelay $0x1  }
0x36: {  	(v2sf) =	vpush v21, $0x3;
	_ =	sdelay $0x1  }
0x37: {  	(v2sf) =	vpush v20, $0x3  }
0x38: {  	[dreg:$0x10] =	wrdreg s0;
	s23 =	simm.s32 $0xB80;
	s0 =	spop (v2sf)  }
0x39: {  	(v2sf) =	vpush v21, $0x4;
	[tilespmem:s23], [sflag:$0x1] =	stream.strided.gather [hbm4b:s0+s13], $0x1000, s15, s13, $0x38;
	[tilespmem:$0x10B80] =	vst v63  }
0x3a: {  	s9 =	spop (v2sf)  }
0x3b: {  	(v2sf) =	vpush v20, $0x4;
	[tilespmem:s2], [sflag:$0x9] =	stream.strided.gather [hbm4b:s9+s13], $0x1000, s15, s13, $0x38;
	[tilespmem:$0x10B80] =	vst v63  }
0x3c: {  	s10 =	spop (v2sf)  }
0x3d: {  	(v2sf) =	vpush v21, $0x5;
	[tilespmem:s12], [sflag:$0x2] =	stream.strided.gather [hbm4b:s10+s13], $0x1000, s15, s13, $0x38;
	[tilespmem:$0x10B80] =	vst v63  }
0x3e: {  	s21 =	spop (v2sf)  }
0x3f: {  	(v2sf) =	vpush v20, $0x5;
	[tilespmem:s3], [sflag:$0xA] =	stream.strided.gather [hbm4b:s21+s13], $0x1000, s15, s13, $0x38;
	[tilespmem:$0x10B80] =	vst v63  }
0x40: {  	s0 =	spop (v2sf)  }
0x41: {  	(v2sf) =	vpush v21, $0x6;
	[tilespmem:s4], [sflag:$0x3] =	stream.strided.gather [hbm4b:s0+s13], $0x1000, s15, s13, $0x38;
	[tilespmem:$0x10B80] =	vst v63  }
0x42: {  	s9 =	spop (v2sf)  }
0x43: {  	(v2sf) =	vpush v20, $0x6;
	[tilespmem:s5], [sflag:$0xB] =	stream.strided.gather [hbm4b:s9+s13], $0x1000, s15, s13, $0x38;
	[tilespmem:$0x10B80] =	vst v63  }
0x44: {  	s10 =	spop (v2sf)  }
0x45: {  	(v2sf) =	vpush v21, $0x7;
	[tilespmem:s6], [sflag:$0x4] =	stream.strided.gather [hbm4b:s10+s13], $0x1000, s15, s13, $0x38;
	[tilespmem:$0x10B80] =	vst v63  }
0x46: {  	s21 =	spop (v2sf)  }
0x47: {  	(v2sf) =	vpush v20, $0x7;
	[tilespmem:s7], [sflag:$0xC] =	stream.strided.gather [hbm4b:s21+s13], $0x1000, s15, s13, $0x38;
	[tilespmem:$0x10B80] =	vst v63  }
0x48: {  	s9 =	simm.s32 $0x4B80;
	s0 =	spop (v2sf)  }
0x49: {  	[tilespmem:s9], [sflag:$0x5] =	stream.strided.gather [hbm4b:s0+s13], $0x1000, s15, s13, $0x38;
	[tilespmem:$0x10B80] =	vst v63  }
0x4a: {  	s21 =	simm.s32 $0xCB80;
	s10 =	spop (v2sf)  }
0x4b: {  	[tilespmem:s21], [sflag:$0xD] =	stream.strided.gather [hbm4b:s10+s13], $0x1000, s15, s13, $0x38;
	[tilespmem:$0x10B80] =	vst v63  }
0x4c: {  	s0 =	spop (v2sf);
	s9 =	simm.s32 $0x5B80  }
0x4d: {  	[tilespmem:s9], [sflag:$0x6] =	stream.strided.gather [hbm4b:s0+s13], $0x1000, s15, s13, $0x38;
	[tilespmem:$0x10B80] =	vst v63  }
0x4e: {  	s10 =	spop (v2sf);
	s21 =	simm.s32 $0xDB80  }
0x4f: {  	[tilespmem:s21], [sflag:$0xE] =	stream.strided.gather [hbm4b:s10+s13], $0x1000, s15, s13, $0x38;
	[tilespmem:$0x10B80] =	vst v63  }
0x50: {  	s0 =	spop (v2sf);
	s9 =	simm.s32 $0x6B80  }
0x51: {  	[tilespmem:s9], [sflag:$0x7] =	stream.strided.gather [hbm4b:s0+s13], $0x1000, s15, s13, $0x38;
	[tilespmem:$0x10B80] =	vst v63  }
0x52: {  	s10 =	spop (v2sf);
	s21 =	simm.s32 $0xEB80  }
0x53: {  	[tilespmem:s21], [sflag:$0xF] =	stream.strided.gather [hbm4b:s10+s13], $0x1000, s15, s13, $0x38;
	[tilespmem:$0x10B80] =	vst v63  }
0x54: {  	s0 =	spop (v2sf);
	s9 =	simm.s32 $0x7B80  }
0x55: {  	[tilespmem:s9], [sflag:$0x8] =	stream.strided.gather [hbm4b:s0+s13], $0x1000, s15, s13, $0x38;
	[tilespmem:$0x10B80] =	vst v63  }
0x56: {  	s10 =	spop (v2sf);
	s21 =	simm.s32 $0xFB80  }
0x57: {  	v18 =	vand.u32 $0x7F, v18;
	[tilespmem:s21], [sflag:$0x10] =	stream.strided.gather [hbm4b:s10+s13], $0x1000, s15, s13, $0x38;
	[tilespmem:$0x10B80] =	vst v63  }
0x58: {  	v22 =	vbroadcast v18, $0x0;
	_ =	swait.ge [sflag:s19], $0x1000  }
0x59: {  	v19 =	vand.u32 $0x7F, v19;
	[sflag:s19] =	ssyncset.done $0x0  }
0x5a: {  	v23 =	vbroadcast v19, $0x0;
	v24 =	vor.u32 v0, v22;
	[sflag:s19] =	ssyncadd.s32 $0xFFFFF000  }
0x5b: {  	v22 =	vor.u32 v2, v22;
	_ =	swait.ge [sflag:s24], $0x1000  }
0x5c: {  	v25 =	vor.u32 v0, v23;
	(v2sf) =	vpush v21, $0x8  }
0x5d: {  	v23 =	vor.u32 v2, v23;
	[sflag:s24] =	ssyncset.done $0x0  }
0x5e: {  	[sflag:s24] =	ssyncadd.s32 $0xFFFFF000;
	(v2sf) =	vpush v20, $0x8  }
0x5f: {  	v24 =	vld.idx.msk [tilespmem:v24+s23+$0x0], $0xffff  }
0x60: {  	v22 =	vld.idx.msk [tilespmem:v22+s23+$0x0], $0xffff  }
0x61: {  	v25 =	vld.idx.msk [tilespmem:v25+s2+$0x0], $0xffff  }
0x62: {  	v23 =	vld.idx.msk [tilespmem:v23+s2+$0x0], $0xffff;
	_ =	sdelay $0x4  }
0x63: {  	v24 =	vmul.f32 v25, v24;
	v22 =	vmul.f32 v23, v22;
	_ =	sdelay $0x1  }
0x64: {  	v22 =	vadd.f32 v22, v24;
	_ =	sdelay $0x1  }
0x65: {  	[tilespmem:v1+s8+$0x0] =	vst.idx.msk $0xffff, v22;
	s0 =	spop (v2sf)  }
0x66: {  	[tilespmem:s23], [sflag:$0x1] =	stream.strided.gather [hbm4b:s0+s13], $0x1000, s15, s13, $0x38;
	[tilespmem:$0x10B80] =	vst v63  }
0x67: {  	s9 =	spop (v2sf)  }
0x68: {  	[tilespmem:s2], [sflag:$0x9] =	stream.strided.gather [hbm4b:s9+s13], $0x1000, s15, s13, $0x38;
	[tilespmem:$0x10B80] =	vst v63  }
0x69: {  	v33 =	vbroadcast v18, $0x1;
	_ =	swait.ge [sflag:s25], $0x1000  }
0x6a: {  	[sflag:s25] =	ssyncset.done $0x0  }
0x6b: {  	v34 =	vbroadcast v19, $0x1;
	v35 =	vor.u32 v0, v33;
	[sflag:s25] =	ssyncadd.s32 $0xFFFFF000  }
0x6c: {  	v22 =	vor.u32 v2, v33;
	_ =	swait.ge [sflag:s26], $0x1000  }
0x6d: {  	v36 =	vor.u32 v0, v34;
	(v2sf) =	vpush v21, $0x9  }
0x6e: {  	v23 =	vor.u32 v2, v34;
	[sflag:s26] =	ssyncset.done $0x0  }
0x6f: {  	[sflag:s26] =	ssyncadd.s32 $0xFFFFF000;
	(v2sf) =	vpush v20, $0x9  }
0x70: {  	v24 =	vld.idx.msk [tilespmem:v35+s12+$0x0], $0xffff  }
0x71: {  	v22 =	vld.idx.msk [tilespmem:v22+s12+$0x0], $0xffff  }
0x72: {  	v25 =	vld.idx.msk [tilespmem:v36+s3+$0x0], $0xffff  }
0x73: {  	v23 =	vld.idx.msk [tilespmem:v23+s3+$0x0], $0xffff;
	_ =	sdelay $0x4  }
0x74: {  	v24 =	vmul.f32 v25, v24;
	v22 =	vmul.f32 v23, v22;
	_ =	sdelay $0x1  }
0x75: {  	v22 =	vadd.f32 v22, v24;
	_ =	sdelay $0x1  }
0x76: {  	[tilespmem:v3+s8+$0x0] =	vst.idx.msk $0xffff, v22;
	s10 =	spop (v2sf)  }
0x77: {  	[tilespmem:s12], [sflag:$0x2] =	stream.strided.gather [hbm4b:s10+s13], $0x1000, s15, s13, $0x38;
	[tilespmem:$0x10B80] =	vst v63  }
0x78: {  	s21 =	spop (v2sf)  }
0x79: {  	[tilespmem:s3], [sflag:$0xA] =	stream.strided.gather [hbm4b:s21+s13], $0x1000, s15, s13, $0x38;
	[tilespmem:$0x10B80] =	vst v63  }
0x7a: {  	v37 =	vbroadcast v18, $0x2;
	_ =	swait.ge [sflag:s28], $0x1000  }
0x7b: {  	[sflag:s28] =	ssyncset.done $0x0  }
0x7c: {  	v38 =	vbroadcast v19, $0x2;
	v39 =	vor.u32 v0, v37;
	[sflag:s28] =	ssyncadd.s32 $0xFFFFF000  }
0x7d: {  	v22 =	vor.u32 v2, v37;
	_ =	swait.ge [sflag:s29], $0x1000  }
0x7e: {  	v40 =	vor.u32 v0, v38;
	(v2sf) =	vpush v21, $0xA  }
0x7f: {  	v23 =	vor.u32 v2, v38;
	[sflag:s29] =	ssyncset.done $0x0  }
0x80: {  	[sflag:s29] =	ssyncadd.s32 $0xFFFFF000;
	(v2sf) =	vpush v20, $0xA  }
0x81: {  	v24 =	vld.idx.msk [tilespmem:v39+s4+$0x0], $0xffff  }
0x82: {  	v22 =	vld.idx.msk [tilespmem:v22+s4+$0x0], $0xffff  }
0x83: {  	v25 =	vld.idx.msk [tilespmem:v40+s5+$0x0], $0xffff  }
0x84: {  	v23 =	vld.idx.msk [tilespmem:v23+s5+$0x0], $0xffff;
	_ =	sdelay $0x4  }
0x85: {  	v24 =	vmul.f32 v25, v24;
	v22 =	vmul.f32 v23, v22;
	_ =	sdelay $0x1  }
0x86: {  	v22 =	vadd.f32 v22, v24;
	_ =	sdelay $0x1  }
0x87: {  	[tilespmem:v4+s8+$0x0] =	vst.idx.msk $0xffff, v22;
	s0 =	spop (v2sf)  }
0x88: {  	[tilespmem:s4], [sflag:$0x3] =	stream.strided.gather [hbm4b:s0+s13], $0x1000, s15, s13, $0x38;
	[tilespmem:$0x10B80] =	vst v63  }
0x89: {  	s9 =	spop (v2sf)  }
0x8a: {  	[tilespmem:s5], [sflag:$0xB] =	stream.strided.gather [hbm4b:s9+s13], $0x1000, s15, s13, $0x38;
	[tilespmem:$0x10B80] =	vst v63  }
0x8b: {  	v41 =	vbroadcast v18, $0x3;
	_ =	swait.ge [sflag:s30], $0x1000  }
0x8c: {  	[sflag:s30] =	ssyncset.done $0x0  }
0x8d: {  	v42 =	vbroadcast v19, $0x3;
	v43 =	vor.u32 v0, v41;
	[sflag:s30] =	ssyncadd.s32 $0xFFFFF000  }
0x8e: {  	v22 =	vor.u32 v2, v41;
	_ =	swait.ge [sflag:s31], $0x1000  }
0x8f: {  	v44 =	vor.u32 v0, v42;
	(v2sf) =	vpush v21, $0xB  }
0x90: {  	v23 =	vor.u32 v2, v42;
	[sflag:s31] =	ssyncset.done $0x0  }
0x91: {  	[sflag:s31] =	ssyncadd.s32 $0xFFFFF000;
	(v2sf) =	vpush v20, $0xB  }
0x92: {  	v24 =	vld.idx.msk [tilespmem:v43+s6+$0x0], $0xffff  }
0x93: {  	v22 =	vld.idx.msk [tilespmem:v22+s6+$0x0], $0xffff  }
0x94: {  	v25 =	vld.idx.msk [tilespmem:v44+s7+$0x0], $0xffff  }
0x95: {  	v23 =	vld.idx.msk [tilespmem:v23+s7+$0x0], $0xffff;
	_ =	sdelay $0x4  }
0x96: {  	v24 =	vmul.f32 v25, v24;
	v22 =	vmul.f32 v23, v22;
	_ =	sdelay $0x1  }
0x97: {  	v22 =	vadd.f32 v22, v24;
	_ =	sdelay $0x1  }
0x98: {  	[tilespmem:v5+s8+$0x0] =	vst.idx.msk $0xffff, v22;
	s10 =	spop (v2sf)  }
0x99: {  	[tilespmem:s6], [sflag:$0x4] =	stream.strided.gather [hbm4b:s10+s13], $0x1000, s15, s13, $0x38;
	[tilespmem:$0x10B80] =	vst v63  }
0x9a: {  	s0 =	simm.s32 $0x5;
	s21 =	spop (v2sf)  }
0x9b: {  	[tilespmem:s7], [sflag:$0xC] =	stream.strided.gather [hbm4b:s21+s13], $0x1000, s15, s13, $0x38;
	[tilespmem:$0x10B80] =	vst v63  }
0x9c: {  	v45 =	vbroadcast v18, $0x4;
	_ =	swait.ge [sflag:s0], $0x1000  }
0x9d: {  	[sflag:s0] =	ssyncset.done $0x0  }
0x9e: {  	v46 =	vbroadcast v19, $0x4;
	v47 =	vor.u32 v0, v45;
	[sflag:s0] =	ssyncadd.s32 $0xFFFFF000  }
0x9f: {  	v22 =	vor.u32 v2, v45;
	_ =	swait.ge [sflag:s1], $0x1000  }
0xa0: {  	v48 =	vor.u32 v0, v46;
	(v2sf) =	vpush v21, $0xC  }
0xa1: {  	v23 =	vor.u32 v2, v46;
	[sflag:s1] =	ssyncset.done $0x0  }
0xa2: {  	s9 =	simm.s32 $0x4B80;
	[sflag:s1] =	ssyncadd.s32 $0xFFFFF000;
	(v2sf) =	vpush v20, $0xC  }
0xa3: {  	v24 =	vld.idx.msk [tilespmem:v47+s9+$0x0], $0xffff  }
0xa4: {  	s22 =	simm.s32 $0xCB80;
	v22 =	vld.idx.msk [tilespmem:v22+s9+$0x0], $0xffff  }
0xa5: {  	v25 =	vld.idx.msk [tilespmem:v48+s22+$0x0], $0xffff  }
0xa6: {  	v23 =	vld.idx.msk [tilespmem:v23+s22+$0x0], $0xffff;
	_ =	sdelay $0x4  }
0xa7: {  	v24 =	vmul.f32 v25, v24;
	v22 =	vmul.f32 v23, v22;
	_ =	sdelay $0x1  }
0xa8: {  	v22 =	vadd.f32 v22, v24;
	_ =	sdelay $0x1  }
0xa9: {  	s10 =	simm.s32 $0x4B80;
	[tilespmem:v6+s8+$0x0] =	vst.idx.msk $0xffff, v22;
	s21 =	spop (v2sf)  }
0xaa: {  	[tilespmem:s10], [sflag:$0x5] =	stream.strided.gather [hbm4b:s21+s13], $0x1000, s15, s13, $0x38;
	[tilespmem:$0x10B80] =	vst v63  }
0xab: {  	s9 =	simm.s32 $0xCB80;
	s10 =	spop (v2sf)  }
0xac: {  	[tilespmem:s9], [sflag:$0xD] =	stream.strided.gather [hbm4b:s10+s13], $0x1000, s15, s13, $0x38;
	[tilespmem:$0x10B80] =	vst v63  }
0xad: {  	v49 =	vbroadcast v18, $0x5;
	_ =	swait.ge [sflag:s14], $0x1000  }
0xae: {  	[sflag:s14] =	ssyncset.done $0x0  }
0xaf: {  	v50 =	vbroadcast v19, $0x5;
	v51 =	vor.u32 v0, v49;
	[sflag:s14] =	ssyncadd.s32 $0xFFFFF000  }
0xb0: {  	v22 =	vor.u32 v2, v49;
	_ =	swait.ge [sflag:s18], $0x1000  }
0xb1: {  	v52 =	vor.u32 v0, v50;
	(v2sf) =	vpush v21, $0xD  }
0xb2: {  	v23 =	vor.u32 v2, v50;
	[sflag:s18] =	ssyncset.done $0x0  }
0xb3: {  	s21 =	simm.s32 $0x5B80;
	[sflag:s18] =	ssyncadd.s32 $0xFFFFF000;
	(v2sf) =	vpush v20, $0xD  }
0xb4: {  	v24 =	vld.idx.msk [tilespmem:v51+s21+$0x0], $0xffff  }
0xb5: {  	s22 =	simm.s32 $0xDB80;
	v22 =	vld.idx.msk [tilespmem:v22+s21+$0x0], $0xffff  }
0xb6: {  	v25 =	vld.idx.msk [tilespmem:v52+s22+$0x0], $0xffff  }
0xb7: {  	v23 =	vld.idx.msk [tilespmem:v23+s22+$0x0], $0xffff;
	_ =	sdelay $0x4  }
0xb8: {  	v24 =	vmul.f32 v25, v24;
	v22 =	vmul.f32 v23, v22;
	_ =	sdelay $0x1  }
0xb9: {  	v22 =	vadd.f32 v22, v24;
	_ =	sdelay $0x1  }
0xba: {  	s10 =	simm.s32 $0x5B80;
	[tilespmem:v7+s8+$0x0] =	vst.idx.msk $0xffff, v22;
	s21 =	spop (v2sf)  }
0xbb: {  	[tilespmem:s10], [sflag:$0x6] =	stream.strided.gather [hbm4b:s21+s13], $0x1000, s15, s13, $0x38;
	[tilespmem:$0x10B80] =	vst v63  }
0xbc: {  	s9 =	simm.s32 $0xDB80;
	s10 =	spop (v2sf)  }
0xbd: {  	[tilespmem:s9], [sflag:$0xE] =	stream.strided.gather [hbm4b:s10+s13], $0x1000, s15, s13, $0x38;
	[tilespmem:$0x10B80] =	vst v63  }
0xbe: {  	v53 =	vbroadcast v18, $0x6;
	_ =	swait.ge [sflag:s16], $0x1000  }
0xbf: {  	[sflag:s16] =	ssyncset.done $0x0  }
0xc0: {  	v54 =	vbroadcast v19, $0x6;
	v55 =	vor.u32 v0, v53;
	[sflag:s16] =	ssyncadd.s32 $0xFFFFF000  }
0xc1: {  	v22 =	vor.u32 v2, v53;
	_ =	swait.ge [sflag:s17], $0x1000  }
0xc2: {  	v56 =	vor.u32 v0, v54;
	(v2sf) =	vpush v21, $0xE  }
0xc3: {  	v23 =	vor.u32 v2, v54;
	[sflag:s17] =	ssyncset.done $0x0  }
0xc4: {  	s21 =	simm.s32 $0x6B80;
	[sflag:s17] =	ssyncadd.s32 $0xFFFFF000;
	(v2sf) =	vpush v20, $0xE  }
0xc5: {  	v24 =	vld.idx.msk [tilespmem:v55+s21+$0x0], $0xffff  }
0xc6: {  	s22 =	simm.s32 $0xEB80;
	v22 =	vld.idx.msk [tilespmem:v22+s21+$0x0], $0xffff  }
0xc7: {  	v25 =	vld.idx.msk [tilespmem:v56+s22+$0x0], $0xffff  }
0xc8: {  	v23 =	vld.idx.msk [tilespmem:v23+s22+$0x0], $0xffff;
	_ =	sdelay $0x4  }
0xc9: {  	v24 =	vmul.f32 v25, v24;
	v22 =	vmul.f32 v23, v22;
	_ =	sdelay $0x1  }
0xca: {  	v22 =	vadd.f32 v22, v24;
	_ =	sdelay $0x1  }
0xcb: {  	s10 =	simm.s32 $0x6B80;
	[tilespmem:v8+s8+$0x0] =	vst.idx.msk $0xffff, v22;
	s21 =	spop (v2sf)  }
0xcc: {  	[tilespmem:s10], [sflag:$0x7] =	stream.strided.gather [hbm4b:s21+s13], $0x1000, s15, s13, $0x38;
	[tilespmem:$0x10B80] =	vst v63  }
0xcd: {  	s9 =	simm.s32 $0xEB80;
	s21 =	spop (v2sf);
	s10 =	simm.s32 $0x8  }
0xce: {  	[tilespmem:s9], [sflag:$0xF] =	stream.strided.gather [hbm4b:s21+s13], $0x1000, s15, s13, $0x38;
	[tilespmem:$0x10B80] =	vst v63  }
0xcf: {  	v57 =	vbroadcast v18, $0x7;
	_ =	swait.ge [sflag:s10], $0x1000  }
0xd0: {  	[sflag:s10] =	ssyncset.done $0x0  }
0xd1: {  	v58 =	vbroadcast v19, $0x7;
	v59 =	vor.u32 v0, v57;
	[sflag:s10] =	ssyncadd.s32 $0xFFFFF000  }
0xd2: {  	v22 =	vor.u32 v2, v57;
	_ =	swait.ge [sflag:s11], $0x1000  }
0xd3: {  	v60 =	vor.u32 v0, v58;
	(v2sf) =	vpush v21, $0xF  }
0xd4: {  	v61 =	vor.u32 v2, v58;
	[sflag:s11] =	ssyncset.done $0x0  }
0xd5: {  	s22 =	simm.s32 $0x7B80;
	[sflag:s11] =	ssyncadd.s32 $0xFFFFF000;
	(v2sf) =	vpush v20, $0xF  }
0xd6: {  	v62 =	vld.idx.msk [tilespmem:v59+s22+$0x0], $0xffff  }
0xd7: {  	s21 =	simm.s32 $0xFB80;
	v22 =	vld.idx.msk [tilespmem:v22+s22+$0x0], $0xffff  }
0xd8: {  	v63 =	vld.idx.msk [tilespmem:v60+s21+$0x0], $0xffff  }
0xd9: {  	v21 =	vld.idx.msk [tilespmem:v61+s21+$0x0], $0xffff;
	_ =	sdelay $0x4  }
0xda: {  	v20 =	vmul.f32 v63, v62;
	v21 =	vmul.f32 v21, v22;
	_ =	sdelay $0x1  }
0xdb: {  	v20 =	vadd.f32 v21, v20;
	_ =	sdelay $0x1  }
0xdc: {  	s9 =	simm.s32 $0x7B80;
	[tilespmem:v9+s8+$0x0] =	vst.idx.msk $0xffff, v20;
	s22 =	spop (v2sf)  }
0xdd: {  	[tilespmem:s9], [sflag:$0x8] =	stream.strided.gather [hbm4b:s22+s13], $0x1000, s15, s13, $0x38;
	[tilespmem:$0x10B80] =	vst v63  }
0xde: {  	s21 =	simm.s32 $0xFB80;
	s22 =	spop (v2sf)  }
0xdf: {  	v24 =	vbroadcast v18, $0x8;
	[tilespmem:s21], [sflag:$0x10] =	stream.strided.gather [hbm4b:s22+s13], $0x1000, s15, s13, $0x38;
	[tilespmem:$0x10B80] =	vst v63  }
0xe0: {  	_ =	swait.ge [sflag:s19], $0x1000  }
0xe1: {  	v25 =	vbroadcast v19, $0x8;
	v26 =	vor.u32 v0, v24;
	[sflag:s19] =	ssyncset.done $0x0  }
0xe2: {  	v20 =	vor.u32 v2, v24;
	[sflag:s19] =	ssyncadd.s32 $0xFFFFF000  }
0xe3: {  	v27 =	vor.u32 v0, v25;
	_ =	swait.ge [sflag:s24], $0x1000  }
0xe4: {  	v21 =	vor.u32 v2, v25;
	[sflag:s24] =	ssyncset.done $0x0  }
0xe5: {  	[sflag:s24] =	ssyncadd.s32 $0xFFFFF000  }
0xe6: {  	v22 =	vld.idx.msk [tilespmem:v26+s23+$0x0], $0xffff  }
0xe7: {  	v20 =	vld.idx.msk [tilespmem:v20+s23+$0x0], $0xffff  }
0xe8: {  	v23 =	vld.idx.msk [tilespmem:v27+s2+$0x0], $0xffff  }
0xe9: {  	v21 =	vld.idx.msk [tilespmem:v21+s2+$0x0], $0xffff;
	_ =	sdelay $0x4  }
0xea: {  	v22 =	vmul.f32 v23, v22;
	v20 =	vmul.f32 v21, v20;
	_ =	sdelay $0x1  }
0xeb: {  	v20 =	vadd.f32 v20, v22;
	_ =	sdelay $0x1  }
0xec: {  	v28 =	vbroadcast v18, $0x9;
	[tilespmem:v10+s8+$0x0] =	vst.idx.msk $0xffff, v20  }
0xed: {  	_ =	swait.ge [sflag:s25], $0x1000  }
0xee: {  	v29 =	vbroadcast v19, $0x9;
	v30 =	vor.u32 v0, v28;
	[sflag:s25] =	ssyncset.done $0x0  }
0xef: {  	v20 =	vor.u32 v2, v28;
	[sflag:s25] =	ssyncadd.s32 $0xFFFFF000  }
0xf0: {  	v31 =	vor.u32 v0, v29;
	_ =	swait.ge [sflag:s26], $0x1000  }
0xf1: {  	v21 =	vor.u32 v2, v29;
	[sflag:s26] =	ssyncset.done $0x0  }
0xf2: {  	[sflag:s26] =	ssyncadd.s32 $0xFFFFF000  }
0xf3: {  	v22 =	vld.idx.msk [tilespmem:v30+s12+$0x0], $0xffff  }
0xf4: {  	v20 =	vld.idx.msk [tilespmem:v20+s12+$0x0], $0xffff  }
0xf5: {  	v23 =	vld.idx.msk [tilespmem:v31+s3+$0x0], $0xffff  }
0xf6: {  	v21 =	vld.idx.msk [tilespmem:v21+s3+$0x0], $0xffff;
	_ =	sdelay $0x4  }
0xf7: {  	v22 =	vmul.f32 v23, v22;
	v20 =	vmul.f32 v21, v20;
	_ =	sdelay $0x1  }
0xf8: {  	v20 =	vadd.f32 v20, v22;
	_ =	sdelay $0x1  }
0xf9: {  	v32 =	vbroadcast v18, $0xA;
	[tilespmem:v11+s8+$0x0] =	vst.idx.msk $0xffff, v20  }
0xfa: {  	_ =	swait.ge [sflag:s28], $0x1000  }
0xfb: {  	v34 =	vor.u32 v0, v32;
	v33 =	vbroadcast v19, $0xA;
	[sflag:s28] =	ssyncset.done $0x0  }
0xfc: {  	v20 =	vor.u32 v2, v32;
	[sflag:s28] =	ssyncadd.s32 $0xFFFFF000  }
0xfd: {  	v35 =	vor.u32 v0, v33;
	_ =	swait.ge [sflag:s29], $0x1000  }
0xfe: {  	v21 =	vor.u32 v2, v33;
	[sflag:s29] =	ssyncset.done $0x0  }
0xff: {  	[sflag:s29] =	ssyncadd.s32 $0xFFFFF000  }
0x100: {  	v22 =	vld.idx.msk [tilespmem:v34+s4+$0x0], $0xffff  }
0x101: {  	v20 =	vld.idx.msk [tilespmem:v20+s4+$0x0], $0xffff  }
0x102: {  	v23 =	vld.idx.msk [tilespmem:v35+s5+$0x0], $0xffff  }
0x103: {  	v21 =	vld.idx.msk [tilespmem:v21+s5+$0x0], $0xffff;
	_ =	sdelay $0x4  }
0x104: {  	v22 =	vmul.f32 v23, v22;
	v20 =	vmul.f32 v21, v20;
	_ =	sdelay $0x1  }
0x105: {  	v20 =	vadd.f32 v20, v22;
	_ =	sdelay $0x1  }
0x106: {  	v36 =	vbroadcast v18, $0xB;
	[tilespmem:v12+s8+$0x0] =	vst.idx.msk $0xffff, v20  }
0x107: {  	_ =	swait.ge [sflag:s30], $0x1000  }
0x108: {  	v38 =	vor.u32 v0, v36;
	v37 =	vbroadcast v19, $0xB;
	[sflag:s30] =	ssyncset.done $0x0  }
0x109: {  	v20 =	vor.u32 v2, v36;
	[sflag:s30] =	ssyncadd.s32 $0xFFFFF000  }
0x10a: {  	v39 =	vor.u32 v0, v37;
	_ =	swait.ge [sflag:s31], $0x1000  }
0x10b: {  	v21 =	vor.u32 v2, v37;
	[sflag:s31] =	ssyncset.done $0x0  }
0x10c: {  	[sflag:s31] =	ssyncadd.s32 $0xFFFFF000  }
0x10d: {  	v22 =	vld.idx.msk [tilespmem:v38+s6+$0x0], $0xffff  }
0x10e: {  	v20 =	vld.idx.msk [tilespmem:v20+s6+$0x0], $0xffff  }
0x10f: {  	v23 =	vld.idx.msk [tilespmem:v39+s7+$0x0], $0xffff  }
0x110: {  	v21 =	vld.idx.msk [tilespmem:v21+s7+$0x0], $0xffff;
	_ =	sdelay $0x4  }
0x111: {  	v22 =	vmul.f32 v23, v22;
	v20 =	vmul.f32 v21, v20;
	_ =	sdelay $0x1  }
0x112: {  	v20 =	vadd.f32 v20, v22;
	_ =	sdelay $0x1  }
0x113: {  	v40 =	vbroadcast v18, $0xC;
	[tilespmem:v13+s8+$0x0] =	vst.idx.msk $0xffff, v20  }
0x114: {  	_ =	swait.ge [sflag:s0], $0x1000  }
0x115: {  	v42 =	vor.u32 v0, v40;
	v41 =	vbroadcast v19, $0xC;
	[sflag:s0] =	ssyncset.done $0x0  }
0x116: {  	v20 =	vor.u32 v2, v40;
	[sflag:s0] =	ssyncadd.s32 $0xFFFFF000  }
0x117: {  	v43 =	vor.u32 v0, v41;
	_ =	swait.ge [sflag:s1], $0x1000  }
0x118: {  	v21 =	vor.u32 v2, v41;
	[sflag:s1] =	ssyncset.done $0x0  }
0x119: {  	s23 =	simm.s32 $0x4B80;
	[sflag:s1] =	ssyncadd.s32 $0xFFFFF000  }
0x11a: {  	v22 =	vld.idx.msk [tilespmem:v42+s23+$0x0], $0xffff  }
0x11b: {  	s22 =	simm.s32 $0xCB80;
	v20 =	vld.idx.msk [tilespmem:v20+s23+$0x0], $0xffff  }
0x11c: {  	v23 =	vld.idx.msk [tilespmem:v43+s22+$0x0], $0xffff  }
0x11d: {  	v21 =	vld.idx.msk [tilespmem:v21+s22+$0x0], $0xffff;
	_ =	sdelay $0x4  }
0x11e: {  	v22 =	vmul.f32 v23, v22;
	v20 =	vmul.f32 v21, v20;
	_ =	sdelay $0x1  }
0x11f: {  	v20 =	vadd.f32 v20, v22;
	_ =	sdelay $0x1  }
0x120: {  	v44 =	vbroadcast v18, $0xD;
	[tilespmem:v14+s8+$0x0] =	vst.idx.msk $0xffff, v20  }
0x121: {  	_ =	swait.ge [sflag:s14], $0x1000  }
0x122: {  	v46 =	vor.u32 v0, v44;
	v45 =	vbroadcast v19, $0xD;
	[sflag:s14] =	ssyncset.done $0x0  }
0x123: {  	v20 =	vor.u32 v2, v44;
	[sflag:s14] =	ssyncadd.s32 $0xFFFFF000  }
0x124: {  	v47 =	vor.u32 v0, v45;
	_ =	swait.ge [sflag:s18], $0x1000  }
0x125: {  	v21 =	vor.u32 v2, v45;
	[sflag:s18] =	ssyncset.done $0x0  }
0x126: {  	s23 =	simm.s32 $0x5B80;
	[sflag:s18] =	ssyncadd.s32 $0xFFFFF000  }
0x127: {  	v22 =	vld.idx.msk [tilespmem:v46+s23+$0x0], $0xffff  }
0x128: {  	s22 =	simm.s32 $0xDB80;
	v20 =	vld.idx.msk [tilespmem:v20+s23+$0x0], $0xffff  }
0x129: {  	v23 =	vld.idx.msk [tilespmem:v47+s22+$0x0], $0xffff  }
0x12a: {  	v21 =	vld.idx.msk [tilespmem:v21+s22+$0x0], $0xffff;
	_ =	sdelay $0x4  }
0x12b: {  	v22 =	vmul.f32 v23, v22;
	v20 =	vmul.f32 v21, v20;
	_ =	sdelay $0x1  }
0x12c: {  	v20 =	vadd.f32 v20, v22;
	_ =	sdelay $0x1  }
0x12d: {  	v48 =	vbroadcast v18, $0xE;
	[tilespmem:v15+s8+$0x0] =	vst.idx.msk $0xffff, v20  }
0x12e: {  	_ =	swait.ge [sflag:s16], $0x1000  }
0x12f: {  	v50 =	vor.u32 v0, v48;
	v49 =	vbroadcast v19, $0xE;
	[sflag:s16] =	ssyncset.done $0x0  }
0x130: {  	v20 =	vor.u32 v2, v48;
	[sflag:s16] =	ssyncadd.s32 $0xFFFFF000  }
0x131: {  	v51 =	vor.u32 v0, v49;
	_ =	swait.ge [sflag:s17], $0x1000  }
0x132: {  	v21 =	vor.u32 v2, v49;
	[sflag:s17] =	ssyncset.done $0x0  }
0x133: {  	s23 =	simm.s32 $0x6B80;
	[sflag:s17] =	ssyncadd.s32 $0xFFFFF000  }
0x134: {  	v22 =	vld.idx.msk [tilespmem:v50+s23+$0x0], $0xffff  }
0x135: {  	s22 =	simm.s32 $0xEB80;
	v20 =	vld.idx.msk [tilespmem:v20+s23+$0x0], $0xffff  }
0x136: {  	v23 =	vld.idx.msk [tilespmem:v51+s22+$0x0], $0xffff  }
0x137: {  	v21 =	vld.idx.msk [tilespmem:v21+s22+$0x0], $0xffff;
	_ =	sdelay $0x4  }
0x138: {  	v22 =	vmul.f32 v23, v22;
	v20 =	vmul.f32 v21, v20;
	_ =	sdelay $0x1  }
0x139: {  	v20 =	vadd.f32 v20, v22;
	_ =	sdelay $0x1  }
0x13a: {  	v18 =	vbroadcast v18, $0xF;
	[tilespmem:v16+s8+$0x0] =	vst.idx.msk $0xffff, v20  }
0x13b: {  	_ =	swait.ge [sflag:s10], $0x1000  }
0x13c: {  	v19 =	vbroadcast v19, $0xF;
	v52 =	vor.u32 v0, v18;
	[sflag:s10] =	ssyncset.done $0x0  }
0x13d: {  	v18 =	vor.u32 v2, v18;
	[sflag:s10] =	ssyncadd.s32 $0xFFFFF000  }
0x13e: {  	v53 =	vor.u32 v0, v19;
	_ =	swait.ge [sflag:s11], $0x1000  }
0x13f: {  	v19 =	vor.u32 v2, v19;
	[sflag:s11] =	ssyncset.done $0x0  }
0x140: {  	[sflag:s11] =	ssyncadd.s32 $0xFFFFF000  }
0x141: {  	v20 =	vld.idx.msk [tilespmem:v52+s9+$0x0], $0xffff  }
0x142: {  	v18 =	vld.idx.msk [tilespmem:v18+s9+$0x0], $0xffff  }
0x143: {  	v21 =	vld.idx.msk [tilespmem:v53+s21+$0x0], $0xffff  }
0x144: {  	v19 =	vld.idx.msk [tilespmem:v19+s21+$0x0], $0xffff;
	_ =	sdelay $0x4  }
0x145: {  	v20 =	vmul.f32 v21, v20;
	v18 =	vmul.f32 v19, v18;
	_ =	sdelay $0x1  }
0x146: {  	v18 =	vadd.f32 v18, v20;
	_ =	sdelay $0x1  }
0x147: {  	[tilespmem:v17+s8+$0x0] =	vst.idx.msk $0xffff, v18  }
0x148: {  	v18 =	vld [tilespmem:$0xA80]  }
0x149: {  	v19 =	vld [tilespmem:$0xA90];
	_ =	sdelay $0x1  }
0x14a: {  	v54 =	vld [tilespmem:$0xAA0];
	_ =	sdelay $0x1  }
0x14b: {  	v55 =	vld [tilespmem:$0xAB0]  }
0x14c: {  	v18 =	vadd.f32 v19, v18  }
0x14d: {  	v19 =	vld [tilespmem:$0xAC0]  }
0x14e: {  	v18 =	vadd.f32 v54, v18  }
0x14f: {  	v56 =	vld [tilespmem:$0xAD0]  }
0x150: {  	v18 =	vadd.f32 v55, v18  }
0x151: {  	v57 =	vld [tilespmem:$0xAE0]  }
0x152: {  	v18 =	vadd.f32 v19, v18  }
0x153: {  	v19 =	vld [tilespmem:$0xAF0]  }
0x154: {  	v18 =	vadd.f32 v56, v18  }
0x155: {  	v58 =	vld [tilespmem:$0xB00]  }
0x156: {  	v18 =	vadd.f32 v57, v18  }
0x157: {  	v59 =	vld [tilespmem:$0xB10]  }
0x158: {  	v18 =	vadd.f32 v19, v18  }
0x159: {  	v19 =	vld [tilespmem:$0xB20]  }
0x15a: {  	v18 =	vadd.f32 v58, v18  }
0x15b: {  	v60 =	vld [tilespmem:$0xB30]  }
0x15c: {  	v18 =	vadd.f32 v59, v18  }
0x15d: {  	v61 =	vld [tilespmem:$0xB40]  }
0x15e: {  	v18 =	vadd.f32 v19, v18  }
0x15f: {  	v19 =	vld [tilespmem:$0xB50]  }
0x160: {  	v18 =	vadd.f32 v60, v18  }
0x161: {  	v62 =	vld [tilespmem:$0xB60]  }
0x162: {  	v18 =	vadd.f32 v61, v18  }
0x163: {  	v63 =	vld [tilespmem:$0xB70]  }
0x164: {  	v18 =	vadd.f32 v19, v18  }
0x165: {  	p0 =	sne.s32 s20, $0x7C0  }
.Ltmp0:
0x166: {  	v18 =	vadd.f32 v62, v18;
	(pc) =	sbr.rel @p0 .LBB2_2-.Ltmp0, $4  }
0x167: {  	_ = 	snop  }
0x168: {  	v18 =	vadd.f32 v63, v18  }
0x169: {  	s23 =	rddreg [dreg:$0x10]  }
0x16a: {  	s20 =	sadd.s32 $0x40, s20;
	[tilespmem:s23+$0x880] =	vst v18  }
0x16b: {  	s0 =	simm.s32 $0x11  }
0x16c: {  	_ =	swait.ge [sflag:s0], $0x200  }
0x16d: {  	[sflag:s0] =	ssyncset.done $0x0  }
0x16e: {  	[sflag:s0] =	ssyncadd.s32 $0xFFFFFE00  }
0x16f: {  	_ =	swait.ge [sflag:s0], $0x200  }
0x170: {  	[sflag:s0] =	ssyncset.done $0x0  }
0x171: {  	[sflag:s0] =	ssyncadd.s32 $0xFFFFFE00  }
0x172: {  	s20 =	simm.s32 $0x0;
	v18 =	vld [tilespmem:$0x800]  }
0x173: {  	s21 =	simm.s32 $0x40;
	v19 =	vld [tilespmem:s20+$0x400]  }
.LBB2_4:
0x174: {  	p0 =	sne.s32 s21, $0x7C0;
	v20 =	vld [tilespmem:s20+$0x880];
	_ =	sdelay $0x1  }
0x175: {  	v21 =	vld [tilespmem:s20+$0x600];
	_ =	sdelay $0x2  }
0x176: {  	v19 =	vadd.f32 v19, v20;
	_ =	sdelay $0x1  }
.Ltmp1:
0x177: {  	v19 =	vadd.f32 v21, v19;
	(pc) =	sbr.rel @p0 .LBB2_4-.Ltmp1, $4  }
0x178: {  	_ = 	snop  }
0x179: {  	v20 =	vadd.f32 v19, v18  }
0x17a: {  	s22 =	sshra.s32 s21, $0x2  }
0x17b: {  	s21 =	sadd.s32 $0x40, s21;
	v19 =	vld [tilespmem:s22+$0x400];
	[tilespmem:s20+$0x880] =	vst v20;
	s20 =	smov.u32 s22  }
0x17c: {  	v20 =	vld [tilespmem:s20+$0x880];
	_ =	sdelay $0x1  }
0x17d: {  	v21 =	vld [tilespmem:s20+$0x600];
	_ =	sdelay $0x2  }
0x17e: {  	v19 =	vadd.f32 v19, v20;
	_ =	sdelay $0x1  }
0x17f: {  	v19 =	vadd.f32 v21, v19;
	_ =	sdelay $0x1  }
0x180: {  	v18 =	vadd.f32 v19, v18  }
0x181: {  	s21 =	simm.s32 $0x0  }
0x182: {  	s10 =	rddreg [dreg:$0xd];
	s0 =	simm.s32 $0x880;
	s22 =	simm.s32 $0x12;
	[tilespmem:s20+$0x880] =	vst v18  }
0x183: {  	[hbm4b:s10+s21] =	stream.linear.scatter [tilespmem:s0], [sflag:$0x12], $0x200, $0x38;
	[tilespmem:$0x10B80] =	vst v63  }
0x184: {  	_ =	swait.ge [sflag:s22], $0x200  }
0x185: {  	s20 =	rddreg [dreg:$0xf]  }
0x186: {  	s23 =	rddreg [dreg:$0xe];
	s0 =	sadd.s32 $0x1, s20  }
0x187: {  	p0 =	sne.s32 s0, s23  }
.Ltmp2:
0x188: {  	_ = 	snop;
	(pc) =	sbr.rel @p0 .LBB2_1-.Ltmp2, $3  }
0x189: {  	_ =	sdelay $0x1  }
0x18a: {  	[sflag:s22] =	ssyncset.done $0x0  }
0x18b: {  	[sflag:s22] =	ssyncadd.s32 $0xFFFFFE00  }
0x18c: {  	_ =	sfence.sel $0x180000  }
0x18d: {  	[bflag:$0x0] =	sbarrier.arrive $0xFFFF  }
0x18e: {  	_ =	strace $0x90000047  }
0x18f: {  	s0 =	stileid.u32;
	[bflag:$0x2] =	sbarrier.arrive $0xFFFF  }
0x190: {  	p0 =	sne.s32 s0, $0x0;
	s0 =	rddreg [dreg:$0x6]  }
0x191: {  	s0 =	sadd.s32 @!p0 $0x100000, s0  }
0x192: {  	[sflag:s0] =	ssyncadd.tile.s32 @!p0 $0x1;
	_ =	shalt  }
.Lfunc_end2:
_tile_overlayer_lowered:
.L_overlay_start_2:
0x193: {  	(tag) =	ssettag $0x2  }
0x194: {  	s0 =	rddreg [dreg:$0x0];
	s2 =	stileid.u32  }
0x195: {  	s1 =	rddreg [dreg:$0x1];
	p0 =	sne.s32 s2, $0x0  }
0x196: {  	s3 =	rddreg [dreg:$0x2];
	[bflag:$0x3] =	sbarrier.arrive $0xFFFF;
	s2 =	simm.s32 @!p0 $0x1C12  }
0x197: {  	[timem:s3], [sflag:s2] =	dma.local @!p0 [hbm:s0], s1  }
0x198: {  	s0 =	simm.s32 @!p0 $0x12  }
0x199: {  	_ =	swait.ge @!p0 [sflag:s0], s1  }
0x19a: {  	s1 =	ssub.s32 @!p0 $0x0, s1;
	[sflag:s0] =	ssyncset.done @!p0 $0x0  }
0x19b: {  	[sflag:s0] =	ssyncadd.s32 @!p0 s1  }
0x19c: {  	[bflag:$0x3] =	sbarrier.arrive $0xFFFF  }
0x19d: {  	_ =	shalt  }

</sc_bundles>
